<compile_context>
chip_gen: v7x
topology: tpu7x:2x2x1
jax: 0.10.2.dev20260603
libtpu: 0.0.44.dev20260713+nightly
codegen_flags: <defaults>
</compile_context>

<pallas_src>
import functools

import jax
import jax.numpy as jnp
from jax import lax
from jax.experimental import pallas as pl
from jax.experimental.pallas import tpu as pltpu
from jax.experimental.pallas import tpu_sc as plsc

D_MODEL = 4096

_NC = 2
_NS = 16
_NW = _NC * _NS
_CHUNK = 8


def _sc_gather(table, ids3):
    n_ch = ids3.shape[1]
    rows_per_w = n_ch * _CHUNK
    total = _NW * rows_per_w
    d = table.shape[1]
    mesh = plsc.VectorSubcoreMesh(core_axis_name="c", subcore_axis_name="s")

    @functools.partial(
        pl.kernel,
        mesh=mesh,
        out_type=jax.ShapeDtypeStruct((total, d), jnp.float32),
        scratch_types=[
            pltpu.VMEM((n_ch, _CHUNK), jnp.int32),
            pltpu.VMEM((2, _CHUNK, d), jnp.float32),
            pltpu.SemaphoreType.DMA,
            pltpu.SemaphoreType.DMA,
        ],
    )
    def gather_kernel(table_hbm, ids_hbm, out_hbm, idx_v, rows_v, sem_in, sem_out):
        wid = lax.axis_index("s") * _NC + lax.axis_index("c")
        base = wid * rows_per_w
        pltpu.sync_copy(ids_hbm.at[wid], idx_v)
        pltpu.make_async_copy(table_hbm.at[idx_v.at[0]], rows_v.at[0], sem_in).start()

        def body(c, _):
            par = lax.rem(c, 2)
            nxt = lax.rem(c + 1, 2)
            pltpu.make_async_copy(
                table_hbm.at[idx_v.at[c]], rows_v.at[par], sem_in).wait()

            @pl.when(c >= 1)
            def _drain_prev():
                pltpu.make_async_copy(
                    rows_v.at[nxt],
                    out_hbm.at[pl.ds(base + (c - 1) * _CHUNK, _CHUNK)],
                    sem_out).wait()

            @pl.when(c + 1 < n_ch)
            def _fetch_next():
                pltpu.make_async_copy(
                    table_hbm.at[idx_v.at[c + 1]], rows_v.at[nxt], sem_in).start()

            pltpu.make_async_copy(
                rows_v.at[par],
                out_hbm.at[pl.ds(base + c * _CHUNK, _CHUNK)],
                sem_out).start()
            return _

        lax.fori_loop(0, n_ch, body, None)
        pltpu.make_async_copy(
            rows_v.at[lax.rem(n_ch - 1, 2)],
            out_hbm.at[pl.ds(base + (n_ch - 1) * _CHUNK, _CHUNK)],
            sem_out).wait()

    return gather_kernel(table, ids3)


_BT = 256


def _tc_linear_slab(x, w_bf16, b2, row0, n_total, out_prev):
    n, d = x.shape
    n_t = n // _BT
    t0 = row0 // _BT

    def body(*refs):
        x_ref, w_ref, b_ref = refs[0], refs[1], refs[2]
        o_ref = refs[-1]
        acc = lax.dot_general(
            x_ref[...].astype(jnp.bfloat16), w_ref[...], (((1,), (1,)), ((), ())),
            preferred_element_type=jnp.float32,
        )
        o_ref[...] = acc + b_ref[...]

    in_specs = [
        pl.BlockSpec((_BT, d), lambda t: (t, 0)),
        pl.BlockSpec((d, d), lambda t: (0, 0)),
        pl.BlockSpec((1, d), lambda t: (0, 0)),
    ]
    args = [x, w_bf16, b2]
    aliases = {}
    if out_prev is not None:
        in_specs.append(pl.BlockSpec(memory_space=pl.ANY))
        args.append(out_prev)
        aliases = {3: 0}
    return pl.pallas_call(
        body,
        grid=(n_t,),
        in_specs=in_specs,
        out_specs=pl.BlockSpec((_BT, d), lambda t: (t0 + t, 0)),
        out_shape=jax.ShapeDtypeStruct((n_total, d), jnp.float32),
        input_output_aliases=aliases,
        compiler_params=pltpu.CompilerParams(vmem_limit_bytes=110 * 1024 * 1024),
    )(*args)


def _convert_w(w):
    d = w.shape[0]
    blk = 512

    def body(w_ref, o_ref):
        o_ref[...] = w_ref[...].astype(jnp.bfloat16)

    return pl.pallas_call(
        body,
        grid=(d // blk,),
        in_specs=[pl.BlockSpec((blk, d), lambda i: (i, 0))],
        out_specs=pl.BlockSpec((blk, d), lambda i: (i, 0)),
        out_shape=jax.ShapeDtypeStruct((d, d), jnp.bfloat16),
    )(w)


_SLAB_SIZES = (6144, 10240)


def kernel(input_ids, embed_table, W, b):
    batch, seq = input_ids.shape
    n = batch * seq
    w_bf = _convert_w(W)
    b2 = b.reshape(1, -1)
    ids = input_ids.reshape(-1).astype(jnp.int32)
    slabs = _SLAB_SIZES if sum(_SLAB_SIZES) == n else (n,)
    xs, off = [], 0
    for sz in slabs:
        ids3 = lax.slice(ids, (off,), (off + sz,)).reshape(
            _NW, sz // (_NW * _CHUNK), _CHUNK)
        xs.append(_sc_gather(embed_table, ids3))
        off += sz
    out, off = None, 0
    for x_s in xs:
        out = _tc_linear_slab(x_s, w_bf, b2, off, n, out)
        off += x_s.shape[0]
    return out.reshape(batch, seq, D_MODEL)

# --- scband reference (transcript-rebuilt; emitter-appended) ---
"""Pipeline reference for scband-dummy-model-53858889892156 (READ-ONLY COPY).

The authoritative reference and input builder live on the scoring server;
editing this copy changes nothing except your own understanding.
"""

import jax, jax.numpy as jnp
import numpy as np

D_MODEL = 4096
VOCAB = 100000
BATCH = 4
SEQ = 4096

def setup_inputs(seed: int = 0) -> dict:
    key = jax.random.key(seed)
    k1, k2, k3, k4 = jax.random.split(key, 4)
    input_ids = jax.random.randint(k1, (BATCH, SEQ), 0, VOCAB, dtype=jnp.int64 if jax.config.jax_enable_x64 else jnp.int32)
    embed_table = jax.random.normal(k2, (VOCAB, D_MODEL), dtype=jnp.float32) * 0.02
    # nn.Linear(d_model, d_model): weight [out, in], bias [out]
    bound = 1.0 / np.sqrt(D_MODEL)
    W = jax.random.uniform(k3, (D_MODEL, D_MODEL), dtype=jnp.float32, minval=-bound, maxval=bound)
    b = jax.random.uniform(k4, (D_MODEL,), dtype=jnp.float32, minval=-bound, maxval=bound)
    return {"input_ids": input_ids, "embed_table": embed_table, "W": W, "b": b}

def reference(input_ids, embed_table, W, b):
    # x = self.embed(input_ids)
    x = jnp.take(embed_table, input_ids, axis=0)  # [B, S, D]
    # return self.layers[0](x)  -> x @ W.T + b
    out = jnp.einsum('bsd,od->bso', x, W) + b
    return out

if __name__ == "__main__":
    import jax
    _d = setup_inputs()
    print(jax.jit(kernel)(*tuple(_d.values())))

</pallas_src>

<mosaic_0001>
#map = affine_map<(d0, d1) -> (0, 0)>
#map1 = affine_map<(d0, d1) -> (0, 0, 0)>
module attributes {stable_mosaic.version = 14 : i64} {
  func.func @gather_kernel(%arg0: i32, %arg1: i32, %arg2: memref<100000x4096xf32, #tpu.memory_space<hbm>>, %arg3: memref<32x24x8xi32, #tpu.memory_space<hbm>>, %arg4: memref<6144x4096xf32, #tpu.memory_space<hbm>>, %arg5: memref<24x8xi32, #tpu.memory_space<vmem>>, %arg6: memref<2x8x4096xf32, #tpu.memory_space<vmem>>, %arg7: memref<!tpu.dma_semaphore, #tpu.memory_space<semaphore_mem>>, %arg8: memref<!tpu.dma_semaphore, #tpu.memory_space<semaphore_mem>>) attributes {dimension_semantics = [#tpu.dimension_semantics<core_parallel>, #tpu.dimension_semantics<subcore_parallel>], iteration_bounds = array<i64: 2, 16>, scalar_prefetch = 0 : i64, scratch_operands = 4 : i64, tpu.core_type = #tpu.core_type<sc_vector_subcore>, window_params = [{transform_indices = #map}, {transform_indices = #map1}, {transform_indices = #map}]} {
    %mul3A = arith.constant 2 : i32
    %mul3A_0 = arith.muli %arg1, %mul3A : i32
    %add3A = arith.addi %mul3A_0, %arg0 : i32
    %mul3A_1 = arith.constant 192 : i32
    %mul3A_2 = arith.muli %add3A, %mul3A_1 : i32
    "tpu.region"() ({
      %run_scoped3A = tpu.sem_alloc : memref<!tpu.dma_semaphore, #tpu.memory_space<semaphore_mem>>
      %dma_start3A_33 = arith.constant 0 : i32
      %dma_start3A_34 = arith.constant 0 : i32
      %dma_start3A_35 = tpu.memref_slice %arg3[%add3A, %dma_start3A_33, %dma_start3A_34] : memref<32x24x8xi32, #tpu.memory_space<hbm>> -> memref<1x24x8xi32, #tpu.memory_space<hbm>>
      %dma_start3A_36 = tpu.memref_squeeze %dma_start3A_35 : memref<1x24x8xi32, #tpu.memory_space<hbm>> -> memref<24x8xi32, #tpu.memory_space<hbm>>
      %dma_start3A_37 = arith.constant 0 : i32
      %dma_start3A_38 = arith.constant 0 : i32
      %dma_start3A_39 = tpu.memref_slice %arg3[%add3A, %dma_start3A_37, %dma_start3A_38] : memref<32x24x8xi32, #tpu.memory_space<hbm>> -> memref<1x24x8xi32, #tpu.memory_space<hbm>>
      %dma_start3A_40 = tpu.memref_squeeze %dma_start3A_39 : memref<1x24x8xi32, #tpu.memory_space<hbm>> -> memref<24x8xi32, #tpu.memory_space<hbm>>
      tpu.enqueue_dma source(%dma_start3A_40 : memref<24x8xi32, #tpu.memory_space<hbm>>) target(%arg5 : memref<24x8xi32, #tpu.memory_space<vmem>>) target_semaphore(%run_scoped3A : memref<!tpu.dma_semaphore, #tpu.memory_space<semaphore_mem>>)
      %dma_wait3A_41 = arith.constant 0 : i32
      %dma_wait3A_42 = arith.constant 0 : i32
      %dma_wait3A_43 = tpu.memref_slice %arg3[%add3A, %dma_wait3A_41, %dma_wait3A_42] : memref<32x24x8xi32, #tpu.memory_space<hbm>> -> memref<1x24x8xi32, #tpu.memory_space<hbm>>
      %dma_wait3A_44 = tpu.memref_squeeze %dma_wait3A_43 : memref<1x24x8xi32, #tpu.memory_space<hbm>> -> memref<24x8xi32, #tpu.memory_space<hbm>>
      %dma_wait3A_45 = arith.constant 0 : i32
      %dma_wait3A_46 = arith.constant 0 : i32
      %dma_wait3A_47 = tpu.memref_slice %arg3[%add3A, %dma_wait3A_45, %dma_wait3A_46] : memref<32x24x8xi32, #tpu.memory_space<hbm>> -> memref<1x24x8xi32, #tpu.memory_space<hbm>>
      %dma_wait3A_48 = tpu.memref_squeeze %dma_wait3A_47 : memref<1x24x8xi32, #tpu.memory_space<hbm>> -> memref<24x8xi32, #tpu.memory_space<hbm>>
      tpu.wait_dma2 semaphore(%run_scoped3A : memref<!tpu.dma_semaphore, #tpu.memory_space<semaphore_mem>>) src(%dma_wait3A_48 : memref<24x8xi32, #tpu.memory_space<hbm>>) dst(%arg5 : memref<24x8xi32, #tpu.memory_space<vmem>>)
      tpu.yield
    }) : () -> ()
    %dma_start3A = arith.constant 0 : i32
    %dma_start3A_3 = arith.constant 0 : i32
    %dma_start3A_4 = arith.constant 0 : i32
    %dma_start3A_5 = arith.constant 0 : i32
    %dma_start3A_6 = tpu.memref_slice %arg6[%dma_start3A_3, %dma_start3A_4, %dma_start3A_5] : memref<2x8x4096xf32, #tpu.memory_space<vmem>> -> memref<1x8x4096xf32, #tpu.memory_space<vmem>>
    %dma_start3A_7 = tpu.memref_squeeze %dma_start3A_6 : memref<1x8x4096xf32, #tpu.memory_space<vmem>> -> memref<8x4096xf32, #tpu.memory_space<vmem>>
    %dma_start3A_8 = arith.constant 0 : i32
    %dma_start3A_9 = tpu.memref_slice %arg5[%dma_start3A, %dma_start3A_8] : memref<24x8xi32, #tpu.memory_space<vmem>> -> memref<1x8xi32, #tpu.memory_space<vmem>>
    %dma_start3A_10 = tpu.memref_squeeze %dma_start3A_9 : memref<1x8xi32, #tpu.memory_space<vmem>> -> memref<8xi32, #tpu.memory_space<vmem>>
    %dma_start3A_11 = arith.constant 0 : i32
    %dma_start3A_12 = arith.constant 0 : i32
    %dma_start3A_13 = tpu.memref_slice %arg2[%dma_start3A_11, %dma_start3A_12] : memref<100000x4096xf32, #tpu.memory_space<hbm>> -> memref<100000x4096xf32, #tpu.memory_space<hbm>>
    tpu.enqueue_indirect_dma source(%dma_start3A_13 : memref<100000x4096xf32, #tpu.memory_space<hbm>>) target(%dma_start3A_7 : memref<8x4096xf32, #tpu.memory_space<vmem>>) offsets(%dma_start3A_10 : memref<8xi32, #tpu.memory_space<vmem>>) semaphore(%arg7 : memref<!tpu.dma_semaphore, #tpu.memory_space<semaphore_mem>>)
    %scan3A = arith.constant 0 : i32
    %scan3A_14 = arith.constant 24 : i32
    %scan3A_15 = arith.addi %scan3A, %scan3A_14 : i32
    %scan3A_16 = arith.constant 1 : i32
    scf.for %scan3A_33 = %scan3A to %scan3A_15 step %scan3A_16  : i32 {
      %rem3A_34 = arith.constant 2 : i32
      %rem3A_35 = arith.remsi %scan3A_33, %rem3A_34 : i32
      %add3A_36 = arith.constant 1 : i32
      %add3A_37 = arith.addi %scan3A_33, %add3A_36 : i32
      %rem3A_38 = arith.constant 2 : i32
      %rem3A_39 = arith.remsi %add3A_37, %rem3A_38 : i32
      %dma_wait3A_40 = arith.constant 0 : i32
      %dma_wait3A_41 = arith.constant 0 : i32
      %dma_wait3A_42 = tpu.memref_slice %arg6[%rem3A_35, %dma_wait3A_40, %dma_wait3A_41] : memref<2x8x4096xf32, #tpu.memory_space<vmem>> -> memref<1x8x4096xf32, #tpu.memory_space<vmem>>
      %dma_wait3A_43 = tpu.memref_squeeze %dma_wait3A_42 : memref<1x8x4096xf32, #tpu.memory_space<vmem>> -> memref<8x4096xf32, #tpu.memory_space<vmem>>
      %dma_wait3A_44 = arith.constant 0 : i32
      %dma_wait3A_45 = tpu.memref_slice %arg5[%scan3A_33, %dma_wait3A_44] : memref<24x8xi32, #tpu.memory_space<vmem>> -> memref<1x8xi32, #tpu.memory_space<vmem>>
      %dma_wait3A_46 = tpu.memref_squeeze %dma_wait3A_45 : memref<1x8xi32, #tpu.memory_space<vmem>> -> memref<8xi32, #tpu.memory_space<vmem>>
      %dma_wait3A_47 = arith.constant 0 : i32
      %dma_wait3A_48 = arith.constant 0 : i32
      %dma_wait3A_49 = tpu.memref_slice %arg2[%dma_wait3A_47, %dma_wait3A_48] : memref<100000x4096xf32, #tpu.memory_space<hbm>> -> memref<100000x4096xf32, #tpu.memory_space<hbm>>
      tpu.wait_indirect_dma semaphore(%arg7 : memref<!tpu.dma_semaphore, #tpu.memory_space<semaphore_mem>>) src(%dma_wait3A_49 : memref<100000x4096xf32, #tpu.memory_space<hbm>>) dst(%dma_wait3A_43 : memref<8x4096xf32, #tpu.memory_space<vmem>>)
      %ge3A = arith.constant 1 : i32
      %ge3A_50 = arith.cmpi sge, %scan3A_33, %ge3A : i32
      %convert_element_type3A = arith.extui %ge3A_50 : i1 to i32
      %cond3A = arith.constant 0 : i32
      %cond3A_51 = arith.cmpi ne, %convert_element_type3A, %cond3A : i32
      scf.if %cond3A_51 {
        %sub3A = arith.constant 1 : i32
        %sub3A_73 = arith.subi %scan3A_33, %sub3A : i32
        %mul3A_74 = arith.constant 8 : i32
        %mul3A_75 = arith.muli %sub3A_73, %mul3A_74 : i32
        %add3A_76 = arith.addi %mul3A_2, %mul3A_75 : i32
        %dma_wait3A_77 = arith.constant 0 : i32
        %dma_wait3A_78 = arith.constant 0 : i32
        %dma_wait3A_79 = tpu.memref_slice %arg6[%rem3A_39, %dma_wait3A_77, %dma_wait3A_78] : memref<2x8x4096xf32, #tpu.memory_space<vmem>> -> memref<1x8x4096xf32, #tpu.memory_space<vmem>>
        %dma_wait3A_80 = tpu.memref_squeeze %dma_wait3A_79 : memref<1x8x4096xf32, #tpu.memory_space<vmem>> -> memref<8x4096xf32, #tpu.memory_space<vmem>>
        %dma_wait3A_81 = arith.constant 0 : i32
        %dma_wait3A_82 = tpu.memref_slice %arg4[%add3A_76, %dma_wait3A_81] : memref<6144x4096xf32, #tpu.memory_space<hbm>> -> memref<8x4096xf32, #tpu.memory_space<hbm>>
        %dma_wait3A_83 = arith.constant 0 : i32
        %dma_wait3A_84 = tpu.memref_slice %arg4[%add3A_76, %dma_wait3A_83] : memref<6144x4096xf32, #tpu.memory_space<hbm>> -> memref<8x4096xf32, #tpu.memory_space<hbm>>
        %dma_wait3A_85 = arith.constant 0 : i32
        %dma_wait3A_86 = arith.constant 0 : i32
        %dma_wait3A_87 = tpu.memref_slice %arg6[%rem3A_39, %dma_wait3A_85, %dma_wait3A_86] : memref<2x8x4096xf32, #tpu.memory_space<vmem>> -> memref<1x8x4096xf32, #tpu.memory_space<vmem>>
        %dma_wait3A_88 = tpu.memref_squeeze %dma_wait3A_87 : memref<1x8x4096xf32, #tpu.memory_space<vmem>> -> memref<8x4096xf32, #tpu.memory_space<vmem>>
        tpu.wait_dma2 semaphore(%arg8 : memref<!tpu.dma_semaphore, #tpu.memory_space<semaphore_mem>>) src(%dma_wait3A_88 : memref<8x4096xf32, #tpu.memory_space<vmem>>) dst(%dma_wait3A_84 : memref<8x4096xf32, #tpu.memory_space<hbm>>)
      } else {
      }
      %add3A_52 = arith.constant 1 : i32
      %add3A_53 = arith.addi %scan3A_33, %add3A_52 : i32
      %lt3A = arith.constant 24 : i32
      %lt3A_54 = arith.cmpi slt, %add3A_53, %lt3A : i32
      %convert_element_type3A_55 = arith.extui %lt3A_54 : i1 to i32
      %cond3A_56 = arith.constant 0 : i32
      %cond3A_57 = arith.cmpi ne, %convert_element_type3A_55, %cond3A_56 : i32
      scf.if %cond3A_57 {
        %add3A_73 = arith.constant 1 : i32
        %add3A_74 = arith.addi %scan3A_33, %add3A_73 : i32
        %dma_start3A_75 = arith.constant 0 : i32
        %dma_start3A_76 = arith.constant 0 : i32
        %dma_start3A_77 = tpu.memref_slice %arg6[%rem3A_39, %dma_start3A_75, %dma_start3A_76] : memref<2x8x4096xf32, #tpu.memory_space<vmem>> -> memref<1x8x4096xf32, #tpu.memory_space<vmem>>
        %dma_start3A_78 = tpu.memref_squeeze %dma_start3A_77 : memref<1x8x4096xf32, #tpu.memory_space<vmem>> -> memref<8x4096xf32, #tpu.memory_space<vmem>>
        %dma_start3A_79 = arith.constant 0 : i32
        %dma_start3A_80 = tpu.memref_slice %arg5[%add3A_74, %dma_start3A_79] : memref<24x8xi32, #tpu.memory_space<vmem>> -> memref<1x8xi32, #tpu.memory_space<vmem>>
        %dma_start3A_81 = tpu.memref_squeeze %dma_start3A_80 : memref<1x8xi32, #tpu.memory_space<vmem>> -> memref<8xi32, #tpu.memory_space<vmem>>
        %dma_start3A_82 = arith.constant 0 : i32
        %dma_start3A_83 = arith.constant 0 : i32
        %dma_start3A_84 = tpu.memref_slice %arg2[%dma_start3A_82, %dma_start3A_83] : memref<100000x4096xf32, #tpu.memory_space<hbm>> -> memref<100000x4096xf32, #tpu.memory_space<hbm>>
        tpu.enqueue_indirect_dma source(%dma_start3A_84 : memref<100000x4096xf32, #tpu.memory_space<hbm>>) target(%dma_start3A_78 : memref<8x4096xf32, #tpu.memory_space<vmem>>) offsets(%dma_start3A_81 : memref<8xi32, #tpu.memory_space<vmem>>) semaphore(%arg7 : memref<!tpu.dma_semaphore, #tpu.memory_space<semaphore_mem>>)
      } else {
      }
      %mul3A_58 = arith.constant 8 : i32
      %mul3A_59 = arith.muli %scan3A_33, %mul3A_58 : i32
      %add3A_60 = arith.addi %mul3A_2, %mul3A_59 : i32
      %dma_start3A_61 = arith.constant 0 : i32
      %dma_start3A_62 = arith.constant 0 : i32
      %dma_start3A_63 = tpu.memref_slice %arg6[%rem3A_35, %dma_start3A_61, %dma_start3A_62] : memref<2x8x4096xf32, #tpu.memory_space<vmem>> -> memref<1x8x4096xf32, #tpu.memory_space<vmem>>
      %dma_start3A_64 = tpu.memref_squeeze %dma_start3A_63 : memref<1x8x4096xf32, #tpu.memory_space<vmem>> -> memref<8x4096xf32, #tpu.memory_space<vmem>>
      %dma_start3A_65 = arith.constant 0 : i32
      %dma_start3A_66 = tpu.memref_slice %arg4[%add3A_60, %dma_start3A_65] : memref<6144x4096xf32, #tpu.memory_space<hbm>> -> memref<8x4096xf32, #tpu.memory_space<hbm>>
      %dma_start3A_67 = arith.constant 0 : i32
      %dma_start3A_68 = tpu.memref_slice %arg4[%add3A_60, %dma_start3A_67] : memref<6144x4096xf32, #tpu.memory_space<hbm>> -> memref<8x4096xf32, #tpu.memory_space<hbm>>
      %dma_start3A_69 = arith.constant 0 : i32
      %dma_start3A_70 = arith.constant 0 : i32
      %dma_start3A_71 = tpu.memref_slice %arg6[%rem3A_35, %dma_start3A_69, %dma_start3A_70] : memref<2x8x4096xf32, #tpu.memory_space<vmem>> -> memref<1x8x4096xf32, #tpu.memory_space<vmem>>
      %dma_start3A_72 = tpu.memref_squeeze %dma_start3A_71 : memref<1x8x4096xf32, #tpu.memory_space<vmem>> -> memref<8x4096xf32, #tpu.memory_space<vmem>>
      tpu.enqueue_dma source(%dma_start3A_72 : memref<8x4096xf32, #tpu.memory_space<vmem>>) target(%dma_start3A_68 : memref<8x4096xf32, #tpu.memory_space<hbm>>) target_semaphore(%arg8 : memref<!tpu.dma_semaphore, #tpu.memory_space<semaphore_mem>>)
    }
    %scan3A_17 = arith.constant 24 : i32
    %rem3A = arith.constant 23 : i32
    %rem3A_18 = arith.constant 2 : i32
    %rem3A_19 = arith.remsi %rem3A, %rem3A_18 : i32
    %add3A_20 = arith.constant 184 : i32
    %add3A_21 = arith.addi %mul3A_2, %add3A_20 : i32
    %dma_wait3A = arith.constant 0 : i32
    %dma_wait3A_22 = arith.constant 0 : i32
    %dma_wait3A_23 = tpu.memref_slice %arg6[%rem3A_19, %dma_wait3A, %dma_wait3A_22] : memref<2x8x4096xf32, #tpu.memory_space<vmem>> -> memref<1x8x4096xf32, #tpu.memory_space<vmem>>
    %dma_wait3A_24 = tpu.memref_squeeze %dma_wait3A_23 : memref<1x8x4096xf32, #tpu.memory_space<vmem>> -> memref<8x4096xf32, #tpu.memory_space<vmem>>
    %dma_wait3A_25 = arith.constant 0 : i32
    %dma_wait3A_26 = tpu.memref_slice %arg4[%add3A_21, %dma_wait3A_25] : memref<6144x4096xf32, #tpu.memory_space<hbm>> -> memref<8x4096xf32, #tpu.memory_space<hbm>>
    %dma_wait3A_27 = arith.constant 0 : i32
    %dma_wait3A_28 = tpu.memref_slice %arg4[%add3A_21, %dma_wait3A_27] : memref<6144x4096xf32, #tpu.memory_space<hbm>> -> memref<8x4096xf32, #tpu.memory_space<hbm>>
    %dma_wait3A_29 = arith.constant 0 : i32
    %dma_wait3A_30 = arith.constant 0 : i32
    %dma_wait3A_31 = tpu.memref_slice %arg6[%rem3A_19, %dma_wait3A_29, %dma_wait3A_30] : memref<2x8x4096xf32, #tpu.memory_space<vmem>> -> memref<1x8x4096xf32, #tpu.memory_space<vmem>>
    %dma_wait3A_32 = tpu.memref_squeeze %dma_wait3A_31 : memref<1x8x4096xf32, #tpu.memory_space<vmem>> -> memref<8x4096xf32, #tpu.memory_space<vmem>>
    tpu.wait_dma2 semaphore(%arg8 : memref<!tpu.dma_semaphore, #tpu.memory_space<semaphore_mem>>) src(%dma_wait3A_32 : memref<8x4096xf32, #tpu.memory_space<vmem>>) dst(%dma_wait3A_28 : memref<8x4096xf32, #tpu.memory_space<hbm>>)
    return
  }
}

#map = affine_map<(d0, d1) -> (0, 0)>
#map1 = affine_map<(d0, d1) -> (0, 0, 0)>
module attributes {stable_mosaic.version = 14 : i64} {
  func.func @gather_kernel(%arg0: i32, %arg1: i32, %arg2: memref<100000x4096xf32, #tpu.memory_space<hbm>>, %arg3: memref<32x40x8xi32, #tpu.memory_space<hbm>>, %arg4: memref<10240x4096xf32, #tpu.memory_space<hbm>>, %arg5: memref<40x8xi32, #tpu.memory_space<vmem>>, %arg6: memref<2x8x4096xf32, #tpu.memory_space<vmem>>, %arg7: memref<!tpu.dma_semaphore, #tpu.memory_space<semaphore_mem>>, %arg8: memref<!tpu.dma_semaphore, #tpu.memory_space<semaphore_mem>>) attributes {dimension_semantics = [#tpu.dimension_semantics<core_parallel>, #tpu.dimension_semantics<subcore_parallel>], iteration_bounds = array<i64: 2, 16>, scalar_prefetch = 0 : i64, scratch_operands = 4 : i64, tpu.core_type = #tpu.core_type<sc_vector_subcore>, window_params = [{transform_indices = #map}, {transform_indices = #map1}, {transform_indices = #map}]} {
    %mul3A = arith.constant 2 : i32
    %mul3A_0 = arith.muli %arg1, %mul3A : i32
    %add3A = arith.addi %mul3A_0, %arg0 : i32
    %mul3A_1 = arith.constant 320 : i32
    %mul3A_2 = arith.muli %add3A, %mul3A_1 : i32
    "tpu.region"() ({
      %run_scoped3A = tpu.sem_alloc : memref<!tpu.dma_semaphore, #tpu.memory_space<semaphore_mem>>
      %dma_start3A_33 = arith.constant 0 : i32
      %dma_start3A_34 = arith.constant 0 : i32
      %dma_start3A_35 = tpu.memref_slice %arg3[%add3A, %dma_start3A_33, %dma_start3A_34] : memref<32x40x8xi32, #tpu.memory_space<hbm>> -> memref<1x40x8xi32, #tpu.memory_space<hbm>>
      %dma_start3A_36 = tpu.memref_squeeze %dma_start3A_35 : memref<1x40x8xi32, #tpu.memory_space<hbm>> -> memref<40x8xi32, #tpu.memory_space<hbm>>
      %dma_start3A_37 = arith.constant 0 : i32
      %dma_start3A_38 = arith.constant 0 : i32
      %dma_start3A_39 = tpu.memref_slice %arg3[%add3A, %dma_start3A_37, %dma_start3A_38] : memref<32x40x8xi32, #tpu.memory_space<hbm>> -> memref<1x40x8xi32, #tpu.memory_space<hbm>>
      %dma_start3A_40 = tpu.memref_squeeze %dma_start3A_39 : memref<1x40x8xi32, #tpu.memory_space<hbm>> -> memref<40x8xi32, #tpu.memory_space<hbm>>
      tpu.enqueue_dma source(%dma_start3A_40 : memref<40x8xi32, #tpu.memory_space<hbm>>) target(%arg5 : memref<40x8xi32, #tpu.memory_space<vmem>>) target_semaphore(%run_scoped3A : memref<!tpu.dma_semaphore, #tpu.memory_space<semaphore_mem>>)
      %dma_wait3A_41 = arith.constant 0 : i32
      %dma_wait3A_42 = arith.constant 0 : i32
      %dma_wait3A_43 = tpu.memref_slice %arg3[%add3A, %dma_wait3A_41, %dma_wait3A_42] : memref<32x40x8xi32, #tpu.memory_space<hbm>> -> memref<1x40x8xi32, #tpu.memory_space<hbm>>
      %dma_wait3A_44 = tpu.memref_squeeze %dma_wait3A_43 : memref<1x40x8xi32, #tpu.memory_space<hbm>> -> memref<40x8xi32, #tpu.memory_space<hbm>>
      %dma_wait3A_45 = arith.constant 0 : i32
      %dma_wait3A_46 = arith.constant 0 : i32
      %dma_wait3A_47 = tpu.memref_slice %arg3[%add3A, %dma_wait3A_45, %dma_wait3A_46] : memref<32x40x8xi32, #tpu.memory_space<hbm>> -> memref<1x40x8xi32, #tpu.memory_space<hbm>>
      %dma_wait3A_48 = tpu.memref_squeeze %dma_wait3A_47 : memref<1x40x8xi32, #tpu.memory_space<hbm>> -> memref<40x8xi32, #tpu.memory_space<hbm>>
      tpu.wait_dma2 semaphore(%run_scoped3A : memref<!tpu.dma_semaphore, #tpu.memory_space<semaphore_mem>>) src(%dma_wait3A_48 : memref<40x8xi32, #tpu.memory_space<hbm>>) dst(%arg5 : memref<40x8xi32, #tpu.memory_space<vmem>>)
      tpu.yield
    }) : () -> ()
    %dma_start3A = arith.constant 0 : i32
    %dma_start3A_3 = arith.constant 0 : i32
    %dma_start3A_4 = arith.constant 0 : i32
    %dma_start3A_5 = arith.constant 0 : i32
    %dma_start3A_6 = tpu.memref_slice %arg6[%dma_start3A_3, %dma_start3A_4, %dma_start3A_5] : memref<2x8x4096xf32, #tpu.memory_space<vmem>> -> memref<1x8x4096xf32, #tpu.memory_space<vmem>>
    %dma_start3A_7 = tpu.memref_squeeze %dma_start3A_6 : memref<1x8x4096xf32, #tpu.memory_space<vmem>> -> memref<8x4096xf32, #tpu.memory_space<vmem>>
    %dma_start3A_8 = arith.constant 0 : i32
    %dma_start3A_9 = tpu.memref_slice %arg5[%dma_start3A, %dma_start3A_8] : memref<40x8xi32, #tpu.memory_space<vmem>> -> memref<1x8xi32, #tpu.memory_space<vmem>>
    %dma_start3A_10 = tpu.memref_squeeze %dma_start3A_9 : memref<1x8xi32, #tpu.memory_space<vmem>> -> memref<8xi32, #tpu.memory_space<vmem>>
    %dma_start3A_11 = arith.constant 0 : i32
    %dma_start3A_12 = arith.constant 0 : i32
    %dma_start3A_13 = tpu.memref_slice %arg2[%dma_start3A_11, %dma_start3A_12] : memref<100000x4096xf32, #tpu.memory_space<hbm>> -> memref<100000x4096xf32, #tpu.memory_space<hbm>>
    tpu.enqueue_indirect_dma source(%dma_start3A_13 : memref<100000x4096xf32, #tpu.memory_space<hbm>>) target(%dma_start3A_7 : memref<8x4096xf32, #tpu.memory_space<vmem>>) offsets(%dma_start3A_10 : memref<8xi32, #tpu.memory_space<vmem>>) semaphore(%arg7 : memref<!tpu.dma_semaphore, #tpu.memory_space<semaphore_mem>>)
    %scan3A = arith.constant 0 : i32
    %scan3A_14 = arith.constant 40 : i32
    %scan3A_15 = arith.addi %scan3A, %scan3A_14 : i32
    %scan3A_16 = arith.constant 1 : i32
    scf.for %scan3A_33 = %scan3A to %scan3A_15 step %scan3A_16  : i32 {
      %rem3A_34 = arith.constant 2 : i32
      %rem3A_35 = arith.remsi %scan3A_33, %rem3A_34 : i32
      %add3A_36 = arith.constant 1 : i32
      %add3A_37 = arith.addi %scan3A_33, %add3A_36 : i32
      %rem3A_38 = arith.constant 2 : i32
      %rem3A_39 = arith.remsi %add3A_37, %rem3A_38 : i32
      %dma_wait3A_40 = arith.constant 0 : i32
      %dma_wait3A_41 = arith.constant 0 : i32
      %dma_wait3A_42 = tpu.memref_slice %arg6[%rem3A_35, %dma_wait3A_40, %dma_wait3A_41] : memref<2x8x4096xf32, #tpu.memory_space<vmem>> -> memref<1x8x4096xf32, #tpu.memory_space<vmem>>
      %dma_wait3A_43 = tpu.memref_squeeze %dma_wait3A_42 : memref<1x8x4096xf32, #tpu.memory_space<vmem>> -> memref<8x4096xf32, #tpu.memory_space<vmem>>
      %dma_wait3A_44 = arith.constant 0 : i32
      %dma_wait3A_45 = tpu.memref_slice %arg5[%scan3A_33, %dma_wait3A_44] : memref<40x8xi32, #tpu.memory_space<vmem>> -> memref<1x8xi32, #tpu.memory_space<vmem>>
      %dma_wait3A_46 = tpu.memref_squeeze %dma_wait3A_45 : memref<1x8xi32, #tpu.memory_space<vmem>> -> memref<8xi32, #tpu.memory_space<vmem>>
      %dma_wait3A_47 = arith.constant 0 : i32
      %dma_wait3A_48 = arith.constant 0 : i32
      %dma_wait3A_49 = tpu.memref_slice %arg2[%dma_wait3A_47, %dma_wait3A_48] : memref<100000x4096xf32, #tpu.memory_space<hbm>> -> memref<100000x4096xf32, #tpu.memory_space<hbm>>
      tpu.wait_indirect_dma semaphore(%arg7 : memref<!tpu.dma_semaphore, #tpu.memory_space<semaphore_mem>>) src(%dma_wait3A_49 : memref<100000x4096xf32, #tpu.memory_space<hbm>>) dst(%dma_wait3A_43 : memref<8x4096xf32, #tpu.memory_space<vmem>>)
      %ge3A = arith.constant 1 : i32
      %ge3A_50 = arith.cmpi sge, %scan3A_33, %ge3A : i32
      %convert_element_type3A = arith.extui %ge3A_50 : i1 to i32
      %cond3A = arith.constant 0 : i32
      %cond3A_51 = arith.cmpi ne, %convert_element_type3A, %cond3A : i32
      scf.if %cond3A_51 {
        %sub3A = arith.constant 1 : i32
        %sub3A_73 = arith.subi %scan3A_33, %sub3A : i32
        %mul3A_74 = arith.constant 8 : i32
        %mul3A_75 = arith.muli %sub3A_73, %mul3A_74 : i32
        %add3A_76 = arith.addi %mul3A_2, %mul3A_75 : i32
        %dma_wait3A_77 = arith.constant 0 : i32
        %dma_wait3A_78 = arith.constant 0 : i32
        %dma_wait3A_79 = tpu.memref_slice %arg6[%rem3A_39, %dma_wait3A_77, %dma_wait3A_78] : memref<2x8x4096xf32, #tpu.memory_space<vmem>> -> memref<1x8x4096xf32, #tpu.memory_space<vmem>>
        %dma_wait3A_80 = tpu.memref_squeeze %dma_wait3A_79 : memref<1x8x4096xf32, #tpu.memory_space<vmem>> -> memref<8x4096xf32, #tpu.memory_space<vmem>>
        %dma_wait3A_81 = arith.constant 0 : i32
        %dma_wait3A_82 = tpu.memref_slice %arg4[%add3A_76, %dma_wait3A_81] : memref<10240x4096xf32, #tpu.memory_space<hbm>> -> memref<8x4096xf32, #tpu.memory_space<hbm>>
        %dma_wait3A_83 = arith.constant 0 : i32
        %dma_wait3A_84 = tpu.memref_slice %arg4[%add3A_76, %dma_wait3A_83] : memref<10240x4096xf32, #tpu.memory_space<hbm>> -> memref<8x4096xf32, #tpu.memory_space<hbm>>
        %dma_wait3A_85 = arith.constant 0 : i32
        %dma_wait3A_86 = arith.constant 0 : i32
        %dma_wait3A_87 = tpu.memref_slice %arg6[%rem3A_39, %dma_wait3A_85, %dma_wait3A_86] : memref<2x8x4096xf32, #tpu.memory_space<vmem>> -> memref<1x8x4096xf32, #tpu.memory_space<vmem>>
        %dma_wait3A_88 = tpu.memref_squeeze %dma_wait3A_87 : memref<1x8x4096xf32, #tpu.memory_space<vmem>> -> memref<8x4096xf32, #tpu.memory_space<vmem>>
        tpu.wait_dma2 semaphore(%arg8 : memref<!tpu.dma_semaphore, #tpu.memory_space<semaphore_mem>>) src(%dma_wait3A_88 : memref<8x4096xf32, #tpu.memory_space<vmem>>) dst(%dma_wait3A_84 : memref<8x4096xf32, #tpu.memory_space<hbm>>)
      } else {
      }
      %add3A_52 = arith.constant 1 : i32
      %add3A_53 = arith.addi %scan3A_33, %add3A_52 : i32
      %lt3A = arith.constant 40 : i32
      %lt3A_54 = arith.cmpi slt, %add3A_53, %lt3A : i32
      %convert_element_type3A_55 = arith.extui %lt3A_54 : i1 to i32
      %cond3A_56 = arith.constant 0 : i32
      %cond3A_57 = arith.cmpi ne, %convert_element_type3A_55, %cond3A_56 : i32
      scf.if %cond3A_57 {
        %add3A_73 = arith.constant 1 : i32
        %add3A_74 = arith.addi %scan3A_33, %add3A_73 : i32
        %dma_start3A_75 = arith.constant 0 : i32
        %dma_start3A_76 = arith.constant 0 : i32
        %dma_start3A_77 = tpu.memref_slice %arg6[%rem3A_39, %dma_start3A_75, %dma_start3A_76] : memref<2x8x4096xf32, #tpu.memory_space<vmem>> -> memref<1x8x4096xf32, #tpu.memory_space<vmem>>
        %dma_start3A_78 = tpu.memref_squeeze %dma_start3A_77 : memref<1x8x4096xf32, #tpu.memory_space<vmem>> -> memref<8x4096xf32, #tpu.memory_space<vmem>>
        %dma_start3A_79 = arith.constant 0 : i32
        %dma_start3A_80 = tpu.memref_slice %arg5[%add3A_74, %dma_start3A_79] : memref<40x8xi32, #tpu.memory_space<vmem>> -> memref<1x8xi32, #tpu.memory_space<vmem>>
        %dma_start3A_81 = tpu.memref_squeeze %dma_start3A_80 : memref<1x8xi32, #tpu.memory_space<vmem>> -> memref<8xi32, #tpu.memory_space<vmem>>
        %dma_start3A_82 = arith.constant 0 : i32
        %dma_start3A_83 = arith.constant 0 : i32
        %dma_start3A_84 = tpu.memref_slice %arg2[%dma_start3A_82, %dma_start3A_83] : memref<100000x4096xf32, #tpu.memory_space<hbm>> -> memref<100000x4096xf32, #tpu.memory_space<hbm>>
        tpu.enqueue_indirect_dma source(%dma_start3A_84 : memref<100000x4096xf32, #tpu.memory_space<hbm>>) target(%dma_start3A_78 : memref<8x4096xf32, #tpu.memory_space<vmem>>) offsets(%dma_start3A_81 : memref<8xi32, #tpu.memory_space<vmem>>) semaphore(%arg7 : memref<!tpu.dma_semaphore, #tpu.memory_space<semaphore_mem>>)
      } else {
      }
      %mul3A_58 = arith.constant 8 : i32
      %mul3A_59 = arith.muli %scan3A_33, %mul3A_58 : i32
      %add3A_60 = arith.addi %mul3A_2, %mul3A_59 : i32
      %dma_start3A_61 = arith.constant 0 : i32
      %dma_start3A_62 = arith.constant 0 : i32
      %dma_start3A_63 = tpu.memref_slice %arg6[%rem3A_35, %dma_start3A_61, %dma_start3A_62] : memref<2x8x4096xf32, #tpu.memory_space<vmem>> -> memref<1x8x4096xf32, #tpu.memory_space<vmem>>
      %dma_start3A_64 = tpu.memref_squeeze %dma_start3A_63 : memref<1x8x4096xf32, #tpu.memory_space<vmem>> -> memref<8x4096xf32, #tpu.memory_space<vmem>>
      %dma_start3A_65 = arith.constant 0 : i32
      %dma_start3A_66 = tpu.memref_slice %arg4[%add3A_60, %dma_start3A_65] : memref<10240x4096xf32, #tpu.memory_space<hbm>> -> memref<8x4096xf32, #tpu.memory_space<hbm>>
      %dma_start3A_67 = arith.constant 0 : i32
      %dma_start3A_68 = tpu.memref_slice %arg4[%add3A_60, %dma_start3A_67] : memref<10240x4096xf32, #tpu.memory_space<hbm>> -> memref<8x4096xf32, #tpu.memory_space<hbm>>
      %dma_start3A_69 = arith.constant 0 : i32
      %dma_start3A_70 = arith.constant 0 : i32
      %dma_start3A_71 = tpu.memref_slice %arg6[%rem3A_35, %dma_start3A_69, %dma_start3A_70] : memref<2x8x4096xf32, #tpu.memory_space<vmem>> -> memref<1x8x4096xf32, #tpu.memory_space<vmem>>
      %dma_start3A_72 = tpu.memref_squeeze %dma_start3A_71 : memref<1x8x4096xf32, #tpu.memory_space<vmem>> -> memref<8x4096xf32, #tpu.memory_space<vmem>>
      tpu.enqueue_dma source(%dma_start3A_72 : memref<8x4096xf32, #tpu.memory_space<vmem>>) target(%dma_start3A_68 : memref<8x4096xf32, #tpu.memory_space<hbm>>) target_semaphore(%arg8 : memref<!tpu.dma_semaphore, #tpu.memory_space<semaphore_mem>>)
    }
    %scan3A_17 = arith.constant 40 : i32
    %rem3A = arith.constant 39 : i32
    %rem3A_18 = arith.constant 2 : i32
    %rem3A_19 = arith.remsi %rem3A, %rem3A_18 : i32
    %add3A_20 = arith.constant 312 : i32
    %add3A_21 = arith.addi %mul3A_2, %add3A_20 : i32
    %dma_wait3A = arith.constant 0 : i32
    %dma_wait3A_22 = arith.constant 0 : i32
    %dma_wait3A_23 = tpu.memref_slice %arg6[%rem3A_19, %dma_wait3A, %dma_wait3A_22] : memref<2x8x4096xf32, #tpu.memory_space<vmem>> -> memref<1x8x4096xf32, #tpu.memory_space<vmem>>
    %dma_wait3A_24 = tpu.memref_squeeze %dma_wait3A_23 : memref<1x8x4096xf32, #tpu.memory_space<vmem>> -> memref<8x4096xf32, #tpu.memory_space<vmem>>
    %dma_wait3A_25 = arith.constant 0 : i32
    %dma_wait3A_26 = tpu.memref_slice %arg4[%add3A_21, %dma_wait3A_25] : memref<10240x4096xf32, #tpu.memory_space<hbm>> -> memref<8x4096xf32, #tpu.memory_space<hbm>>
    %dma_wait3A_27 = arith.constant 0 : i32
    %dma_wait3A_28 = tpu.memref_slice %arg4[%add3A_21, %dma_wait3A_27] : memref<10240x4096xf32, #tpu.memory_space<hbm>> -> memref<8x4096xf32, #tpu.memory_space<hbm>>
    %dma_wait3A_29 = arith.constant 0 : i32
    %dma_wait3A_30 = arith.constant 0 : i32
    %dma_wait3A_31 = tpu.memref_slice %arg6[%rem3A_19, %dma_wait3A_29, %dma_wait3A_30] : memref<2x8x4096xf32, #tpu.memory_space<vmem>> -> memref<1x8x4096xf32, #tpu.memory_space<vmem>>
    %dma_wait3A_32 = tpu.memref_squeeze %dma_wait3A_31 : memref<1x8x4096xf32, #tpu.memory_space<vmem>> -> memref<8x4096xf32, #tpu.memory_space<vmem>>
    tpu.wait_dma2 semaphore(%arg8 : memref<!tpu.dma_semaphore, #tpu.memory_space<semaphore_mem>>) src(%dma_wait3A_32 : memref<8x4096xf32, #tpu.memory_space<vmem>>) dst(%dma_wait3A_28 : memref<8x4096xf32, #tpu.memory_space<hbm>>)
    return
  }
}

module attributes {stable_mosaic.version = 14 : i64} {
  func.func @body(%arg0: i32, %arg1: memref<256x4096xf32, #tpu.memory_space<vmem>>, %arg2: memref<4096x4096xbf16, #tpu.memory_space<vmem>>, %arg3: memref<1x4096xf32, #tpu.memory_space<vmem>>, %arg4: memref<256x4096xf32, #tpu.memory_space<vmem>>) attributes {dimension_semantics = [#tpu.dimension_semantics<arbitrary>], iteration_bounds = array<i64: 24>, scalar_prefetch = 0 : i64, scratch_operands = 0 : i64, tpu.core_type = #tpu.core_type<tc>, window_params = [{transform_indices = @transform_0, window_bounds = array<i64: 256, 4096>}, {pipeline_mode = #tpu.pipeline_mode<synchronous>, transform_indices = @transform_1, window_bounds = array<i64: 4096, 4096>}, {pipeline_mode = #tpu.pipeline_mode<synchronous>, transform_indices = @transform_2, window_bounds = array<i64: 1, 4096>}, {transform_indices = @transform_3, window_bounds = array<i64: 256, 4096>}]} {
    %get3A = arith.constant 0 : index
    %get3A_0 = arith.constant 0 : index
    %get3A_1 = vector.load %arg1[%get3A, %get3A_0] : memref<256x4096xf32, #tpu.memory_space<vmem>>, vector<256x4096xf32>
    %convert_element_type3A = arith.truncf %get3A_1 : vector<256x4096xf32> to vector<256x4096xbf16>
    %get3A_2 = arith.constant 0 : index
    %get3A_3 = arith.constant 0 : index
    %get3A_4 = vector.load %arg2[%get3A_2, %get3A_3] : memref<4096x4096xbf16, #tpu.memory_space<vmem>>, vector<4096x4096xbf16>
    %dot_general3A = arith.constant dense<0.000000e+00> : vector<256x4096xf32>
    %dot_general3A_5 = tpu.matmul %convert_element_type3A, %get3A_4, %dot_general3A {dimension_numbers = #tpu.dot_dimension_numbers<[1], [1], [0], [0], [0, 0, 1, 0], [], []>, transpose_lhs_hint = false} : vector<256x4096xbf16>, vector<4096x4096xbf16>, vector<256x4096xf32> -> vector<256x4096xf32>
    %get3A_6 = arith.constant 0 : index
    %get3A_7 = arith.constant 0 : index
    %get3A_8 = vector.load %arg3[%get3A_6, %get3A_7] : memref<1x4096xf32, #tpu.memory_space<vmem>>, vector<1x4096xf32>
    %add3A = vector.broadcast %get3A_8 : vector<1x4096xf32> to vector<256x4096xf32>
    %add3A_9 = arith.addf %dot_general3A_5, %add3A : vector<256x4096xf32>
    %swap3A = arith.constant 0 : index
    %swap3A_10 = arith.constant 0 : index
    %swap3A_11 = vector.load %arg4[%swap3A, %swap3A_10] : memref<256x4096xf32, #tpu.memory_space<vmem>>, vector<256x4096xf32>
    tpu.vector_store %arg4[%swap3A, %swap3A_10], %add3A_9 {strides = array<i32>} : memref<256x4096xf32, #tpu.memory_space<vmem>>, vector<256x4096xf32>,
    return
  }
  func.func @transform_0(%arg0: i32) -> (i32, i32) {
    %c0_i32 = arith.constant 0 : i32
    %c0_i32_0 = arith.constant 0 : i32
    return %arg0, %c0_i32 : i32, i32
  }
  func.func @transform_1(%arg0: i32) -> (i32, i32) {
    %c0_i32 = arith.constant 0 : i32
    %c0_i32_0 = arith.constant 0 : i32
    %c0_i32_1 = arith.constant 0 : i32
    return %c0_i32, %c0_i32_0 : i32, i32
  }
  func.func @transform_2(%arg0: i32) -> (i32, i32) {
    %c0_i32 = arith.constant 0 : i32
    %c0_i32_0 = arith.constant 0 : i32
    %c0_i32_1 = arith.constant 0 : i32
    return %c0_i32, %c0_i32_0 : i32, i32
  }
  func.func @transform_3(%arg0: i32) -> (i32, i32) {
    %add3A = arith.constant 0 : i32
    %add3A_0 = arith.addi %add3A, %arg0 : i32
    %c0_i32 = arith.constant 0 : i32
    %c0_i32_1 = arith.constant 0 : i32
    return %add3A_0, %c0_i32 : i32, i32
  }
}

module attributes {stable_mosaic.version = 14 : i64} {
  func.func @body(%arg0: i32, %arg1: memref<512x4096xf32, #tpu.memory_space<vmem>>, %arg2: memref<512x4096xbf16, #tpu.memory_space<vmem>>) attributes {dimension_semantics = [#tpu.dimension_semantics<arbitrary>], iteration_bounds = array<i64: 8>, scalar_prefetch = 0 : i64, scratch_operands = 0 : i64, tpu.core_type = #tpu.core_type<tc>, window_params = [{transform_indices = @transform_0, window_bounds = array<i64: 512, 4096>}, {transform_indices = @transform_1, window_bounds = array<i64: 512, 4096>}]} {
    %get3A = arith.constant 0 : index
    %get3A_0 = arith.constant 0 : index
    %get3A_1 = vector.load %arg1[%get3A, %get3A_0] : memref<512x4096xf32, #tpu.memory_space<vmem>>, vector<512x4096xf32>
    %convert_element_type3A = arith.truncf %get3A_1 : vector<512x4096xf32> to vector<512x4096xbf16>
    %swap3A = arith.constant 0 : index
    %swap3A_2 = arith.constant 0 : index
    %swap3A_3 = vector.load %arg2[%swap3A, %swap3A_2] : memref<512x4096xbf16, #tpu.memory_space<vmem>>, vector<512x4096xbf16>
    tpu.vector_store %arg2[%swap3A, %swap3A_2], %convert_element_type3A {strides = array<i32>} : memref<512x4096xbf16, #tpu.memory_space<vmem>>, vector<512x4096xbf16>,
    return
  }
  func.func @transform_0(%arg0: i32) -> (i32, i32) {
    %c0_i32 = arith.constant 0 : i32
    %c0_i32_0 = arith.constant 0 : i32
    return %arg0, %c0_i32 : i32, i32
  }
  func.func @transform_1(%arg0: i32) -> (i32, i32) {
    %c0_i32 = arith.constant 0 : i32
    %c0_i32_0 = arith.constant 0 : i32
    return %arg0, %c0_i32 : i32, i32
  }
}

module attributes {stable_mosaic.version = 14 : i64} {
  func.func @body(%arg0: i32, %arg1: memref<256x4096xf32, #tpu.memory_space<vmem>>, %arg2: memref<4096x4096xbf16, #tpu.memory_space<vmem>>, %arg3: memref<1x4096xf32, #tpu.memory_space<vmem>>, %arg4: memref<16384x4096xf32, #tpu.memory_space<any>>, %arg5: memref<256x4096xf32, #tpu.memory_space<vmem>>) attributes {dimension_semantics = [#tpu.dimension_semantics<arbitrary>], iteration_bounds = array<i64: 40>, scalar_prefetch = 0 : i64, scratch_operands = 0 : i64, tpu.core_type = #tpu.core_type<tc>, window_params = [{transform_indices = @transform_0, window_bounds = array<i64: 256, 4096>}, {pipeline_mode = #tpu.pipeline_mode<synchronous>, transform_indices = @transform_1, window_bounds = array<i64: 4096, 4096>}, {pipeline_mode = #tpu.pipeline_mode<synchronous>, transform_indices = @transform_2, window_bounds = array<i64: 1, 4096>}, {}, {transform_indices = @transform_4, window_bounds = array<i64: 256, 4096>}]} {
    %get3A = arith.constant 0 : index
    %get3A_0 = arith.constant 0 : index
    %get3A_1 = vector.load %arg1[%get3A, %get3A_0] : memref<256x4096xf32, #tpu.memory_space<vmem>>, vector<256x4096xf32>
    %convert_element_type3A = arith.truncf %get3A_1 : vector<256x4096xf32> to vector<256x4096xbf16>
    %get3A_2 = arith.constant 0 : index
    %get3A_3 = arith.constant 0 : index
    %get3A_4 = vector.load %arg2[%get3A_2, %get3A_3] : memref<4096x4096xbf16, #tpu.memory_space<vmem>>, vector<4096x4096xbf16>
    %dot_general3A = arith.constant dense<0.000000e+00> : vector<256x4096xf32>
    %dot_general3A_5 = tpu.matmul %convert_element_type3A, %get3A_4, %dot_general3A {dimension_numbers = #tpu.dot_dimension_numbers<[1], [1], [0], [0], [0, 0, 1, 0], [], []>, transpose_lhs_hint = false} : vector<256x4096xbf16>, vector<4096x4096xbf16>, vector<256x4096xf32> -> vector<256x4096xf32>
    %get3A_6 = arith.constant 0 : index
    %get3A_7 = arith.constant 0 : index
    %get3A_8 = vector.load %arg3[%get3A_6, %get3A_7] : memref<1x4096xf32, #tpu.memory_space<vmem>>, vector<1x4096xf32>
    %add3A = vector.broadcast %get3A_8 : vector<1x4096xf32> to vector<256x4096xf32>
    %add3A_9 = arith.addf %dot_general3A_5, %add3A : vector<256x4096xf32>
    %swap3A = arith.constant 0 : index
    %swap3A_10 = arith.constant 0 : index
    %swap3A_11 = vector.load %arg5[%swap3A, %swap3A_10] : memref<256x4096xf32, #tpu.memory_space<vmem>>, vector<256x4096xf32>
    tpu.vector_store %arg5[%swap3A, %swap3A_10], %add3A_9 {strides = array<i32>} : memref<256x4096xf32, #tpu.memory_space<vmem>>, vector<256x4096xf32>,
    return
  }
  func.func @transform_0(%arg0: i32) -> (i32, i32) {
    %c0_i32 = arith.constant 0 : i32
    %c0_i32_0 = arith.constant 0 : i32
    return %arg0, %c0_i32 : i32, i32
  }
  func.func @transform_1(%arg0: i32) -> (i32, i32) {
    %c0_i32 = arith.constant 0 : i32
    %c0_i32_0 = arith.constant 0 : i32
    %c0_i32_1 = arith.constant 0 : i32
    return %c0_i32, %c0_i32_0 : i32, i32
  }
  func.func @transform_2(%arg0: i32) -> (i32, i32) {
    %c0_i32 = arith.constant 0 : i32
    %c0_i32_0 = arith.constant 0 : i32
    %c0_i32_1 = arith.constant 0 : i32
    return %c0_i32, %c0_i32_0 : i32, i32
  }
  func.func @transform_4(%arg0: i32) -> (i32, i32) {
    %add3A = arith.constant 24 : i32
    %add3A_0 = arith.addi %add3A, %arg0 : i32
    %c0_i32 = arith.constant 0 : i32
    %c0_i32_1 = arith.constant 0 : i32
    return %add3A_0, %c0_i32 : i32, i32
  }
}

</mosaic_0001>

<sc_bundles>
// kernel: kernel.10.cloned.1.call-start
scs
__scs_entry_jumppad:
0x0: {  	(pc) =	sbr.rel $0x88, $3  }
0x1: {  	(tag) =	ssettag $0x0;
	lr =	simm.s32 $0x1  }
0x2: {  	[smem:$0x3F9D] =	sst lr;
	_ =	strace $0xD0000000  }
0x3: {  	_ = 	snop  }
0x4: {  	_ = 	snop  }
0x5: {  	_ = 	snop  }
0x6: {  	_ = 	snop  }
0x7: {  	_ = 	snop  }
__scs_overlays_trampoline_lowered:
0x8: {  	[smem:$0x3FAC] =	sst s0  }
0x9: {  	[smem:$0x3FAD] =	sst s1  }
0xa: {  	[smem:$0x3FAE] =	sst s2  }
0xb: {  	[smem:$0x3FAF] =	sst s3  }
0xc: {  	[smem:$0x3FB0] =	sst s4  }
0xd: {  	[smem:$0x3FB1] =	sst s5  }
0xe: {  	[smem:$0x3FB2] =	sst s6  }
0xf: {  	[smem:$0x3FB3] =	sst s7  }
0x10: {  	[smem:$0x3FB4] =	sst s8  }
0x11: {  	[smem:$0x3FB5] =	sst s9;
	s0 =	simm.s32 @!p0 $0x0  }
0x12: {  	s1 =	sld [smem:$0x3F9B];
	s0 =	simm.s32 @p0 $0x1  }
0x13: {  	[smem:$0x3FB6] =	sst s0;
	s0 =	simm.s32 @!p1 $0x0  }
0x14: {  	s2 =	sld [smem:$0x3F9A];
	s0 =	simm.s32 @p1 $0x1  }
0x15: {  	[smem:$0x3FB7] =	sst s0;
	s0 =	simm.s32 @!p2 $0x0  }
0x16: {  	s3 =	sld [smem:$0x3FDB];
	s0 =	simm.s32 @p2 $0x1  }
0x17: {  	s4 =	simm.s32 $0x1BF5;
	[smem:$0x3FB9] =	sst s0  }
0x18: {  	s0 =	sld [smem:$0x3F9C];
	_ =	swait.ge [sflag:s4], $0x0  }
0x19: {  	s7 =	sld [smem:$0x3F9D]  }
0x1a: {  	s8 =	sadd.s32 $0xFFFFE003, lr  }
0x1b: {  	s9 =	sadd.s32 $0xFFFFFEF7, lr;
	s5 =	simm.s32 $0xFFFFFFFF;
	p2 =	slt.u32 s8, $0xFFFFF086  }
0x1c: {  	p1 =	slt.u32 s9, $0xF7A;
	s5 =	simm.s32 @!p2 $0x0  }
0x1d: {  	s5 =	simm.s32 @p1 $0x1;
	p0 =	seq.s32 s7, s2  }
0x1e: {  	s7 =	smul.u32 @!p0 $0xF7A, s2;
	p2 =	seq.s32 @!p0 s5, $0x0  }
0x1f: {  	s9 =	smul.u32 $0xF7A, s1;
	s8 =	simm.s32 @!p0 $0x1BF5;
	p2 =	por !p2, p0  }
0x20: {  	[sflag:s8] =	ssyncset.s32 @!p0 $0xFFFFF086;
	s6 =	sadd.s32 @!p0 s3, s7;
	s7 =	simm.s32 @!p0 $0x108  }
0x21: {  	s3 =	sadd.s32 s3, s9;
	s6 =	sadd.s32 @!p0 $0x88, s6;
	s7 =	simm.s32 @p2 $0x1082  }
0x22: {  	[simem:s7], [sflag:s8] =	dma.local @!p0 [hbm:s6], $0xF7A  }
0x23: {  	s9 =	sor.u32 $0xD0000000, s2;
	s6 =	simm.s32 $0x108;
	_ =	swait.ge @!p0 [sflag:s8], $0x0  }
0x24: {  	s3 =	sadd.s32 $0x88, s3;
	s6 =	simm.s32 @!p1 $0x1082;
	[sflag:s4] =	ssyncset.s32 $0xFFFFF086  }
0x25: {  	[simem:s6], [sflag:s4] =	dma.local [hbm:s3], $0xF7A  }
0x26: {  	[smem:$0x3F9D] =	sst s1;
	(tag) =	ssettag s2;
	_ =	strace s9  }
0x27: {  	s1 =	sld [smem:$0x3FAD]  }
0x28: {  	s2 =	sld [smem:$0x3FAE]  }
0x29: {  	s4 =	sld [smem:$0x3FB0]  }
0x2a: {  	p0 =	seq.s32 s5, $0x0;
	s5 =	sld [smem:$0x3FB1]  }
0x2b: {  	s6 =	sld [smem:$0x3FB2]  }
0x2c: {  	s7 =	sld [smem:$0x3FB3]  }
0x2d: {  	s3 =	simm.s32 $0x108;
	s8 =	sld [smem:$0x3FB4]  }
0x2e: {  	s3 =	simm.s32 @!p0 $0x1082;
	s9 =	sld [smem:$0x3FB5]  }
0x2f: {  	lr =	sadd.s32 s0, s3;
	s0 =	sld [smem:$0x3FAC]  }
0x30: {  	s3 =	sld [smem:$0x3FAF]  }
0x31: {  	[smem:$0x3FB8] =	sst s10  }
0x32: {  	s10 =	sld [smem:$0x3FB6];
	_ =	sdelay $0x3  }
0x33: {  	p0 =	seq.s32 s10, $0x1;
	s10 =	sld [smem:$0x3FB8];
	_ =	sdelay $0x3  }
0x34: {  	[smem:$0x3FB8] =	sst s10  }
0x35: {  	s10 =	sld [smem:$0x3FB7];
	_ =	sdelay $0x3  }
0x36: {  	p1 =	seq.s32 s10, $0x1;
	s10 =	sld [smem:$0x3FB8];
	_ =	sdelay $0x3  }
0x37: {  	[smem:$0x3FB8] =	sst s10  }
0x38: {  	s10 =	sld [smem:$0x3FB9]  }
0x39: {  	_ = 	snop;
	(pc) =	sbr.ind lr, $3  }
0x3a: {  	_ = 	snop  }
0x3b: {  	_ = 	snop  }
0x3c: {  	p2 =	seq.s32 s10, $0x1;
	s10 =	sld [smem:$0x3FB8]  }
0x3d: {  	_ =	shalt  }
0x3e: {  	_ =	shalt  }
0x3f: {  	_ =	shalt  }
0x40: {  	_ =	shalt  }
0x41: {  	_ =	shalt  }
0x42: {  	_ =	shalt  }
0x43: {  	_ =	shalt  }
0x44: {  	_ =	shalt  }
0x45: {  	_ =	shalt  }
0x46: {  	_ =	shalt  }
0x47: {  	_ =	shalt  }
0x48: {  	_ =	shalt  }
0x49: {  	_ =	shalt  }
0x4a: {  	_ =	shalt  }
0x4b: {  	_ =	shalt  }
0x4c: {  	_ =	shalt  }
0x4d: {  	_ =	shalt  }
0x4e: {  	_ =	shalt  }
0x4f: {  	_ =	shalt  }
0x50: {  	_ =	shalt  }
0x51: {  	_ =	shalt  }
0x52: {  	_ =	shalt  }
0x53: {  	_ =	shalt  }
0x54: {  	_ =	shalt  }
0x55: {  	_ =	shalt  }
0x56: {  	_ =	shalt  }
0x57: {  	_ =	shalt  }
0x58: {  	_ =	shalt  }
0x59: {  	_ =	shalt  }
0x5a: {  	_ =	shalt  }
0x5b: {  	_ =	shalt  }
0x5c: {  	_ =	shalt  }
0x5d: {  	_ =	shalt  }
0x5e: {  	_ =	shalt  }
0x5f: {  	_ =	shalt  }
0x60: {  	_ =	shalt  }
0x61: {  	_ =	shalt  }
0x62: {  	_ =	shalt  }
0x63: {  	_ =	shalt  }
0x64: {  	_ =	shalt  }
0x65: {  	_ =	shalt  }
0x66: {  	_ =	shalt  }
0x67: {  	_ =	shalt  }
0x68: {  	_ =	shalt  }
0x69: {  	_ =	shalt  }
0x6a: {  	_ =	shalt  }
0x6b: {  	_ =	shalt  }
0x6c: {  	_ =	shalt  }
0x6d: {  	_ =	shalt  }
0x6e: {  	_ =	shalt  }
0x6f: {  	_ =	shalt  }
0x70: {  	_ =	shalt  }
0x71: {  	_ =	shalt  }
0x72: {  	_ =	shalt  }
0x73: {  	_ =	shalt  }
0x74: {  	_ =	shalt  }
0x75: {  	_ =	shalt  }
0x76: {  	_ =	shalt  }
0x77: {  	_ =	shalt  }
0x78: {  	_ =	shalt  }
0x79: {  	_ =	shalt  }
0x7a: {  	_ =	shalt  }
0x7b: {  	_ =	shalt  }
0x7c: {  	_ =	shalt  }
0x7d: {  	_ =	shalt  }
0x7e: {  	_ =	shalt  }
0x7f: {  	_ =	shalt  }
0x80: {  	_ =	shalt  }
0x81: {  	_ =	shalt  }
0x82: {  	_ =	shalt  }
0x83: {  	_ =	shalt  }
0x84: {  	_ =	shalt  }
0x85: {  	_ =	shalt  }
0x86: {  	_ =	shalt  }
0x87: {  	_ =	shalt  }
.Lfunc_end0:
.L_simem_size_0:
called_computation.1_lowered:
.L_overlay_start_0:
0x88: {  	s2 =	sld [smem:$0x3FD9]  }
0x89: {  	s3 =	sld [smem:$0x3FFE];
	_ =	sdelay $0x1  }
0x8a: {  	s1 =	srdreg.scid  }
0x8b: {  	s0 =	sand.u32 $0x1, s1  }
0x8c: {  	s17 =	sshll.u32 s0, $0xA;
	s2 =	sadd.s32 s3, s2  }
0x8d: {  	s2 =	sadd.s32 s2, s17  }
0x8e: {  	[smem:$0x3FC4] =	sst s2  }
0x8f: {  	_ = 	snop  }
0x90: {  	s18 =	sld [smem:$0x3FC8];
	(tm) =	ssettm $0x1  }
0x91: {  	s19 =	sld [smem:$0x3FFB];
	_ =	sdelay $0x3  }
0x92: {  	_ =	strace s19  }
0x93: {  	s2 =	sld [smem:$0x3FFC];
	_ =	sdelay $0x3  }
0x94: {  	_ =	strace s2  }
0x95: {  	s2 =	sld [smem:$0x3FFD];
	_ =	sdelay $0x3  }
0x96: {  	_ =	strace s2  }
0x97: {  	_ =	strace $0x8FFFFFFF  }
0x98: {  	s20 =	sld [smem:$0x3FDB];
	_ =	sdelay $0x1  }
0x99: {  	s4 =	simm.s32 $_scs_section_size  }
0x9a: {  	s5 =	simm.s32 $_size__tile_overlayer_lowered;
	s6 =	simm.s32 $_tile_overlayer_lowered  }
0x9b: {  	s7 =	simm.s32 $0x1BFF;
	s21 =	sshll.u32 s6, $0x1;
	s4 =	sadd.s32 s4, s20  }
0x9c: {  	s22 =	simm.s32 $0x0;
	s5 =	sshll.u32 s5, $0x1;
	s6 =	sadd.s32 s21, s4  }
0x9d: {  	[timem:s22], [sflag:s7] =	dma.local [hbm:s6], s5  }
0x9e: {  	_ =	swait.ge [sflag:s7], s5  }
0x9f: {  	s5 =	ssub.s32 $0x0, s5;
	[sflag:s7] =	ssyncset.done $0x0  }
0xa0: {  	[sflag:s7] =	ssyncadd.s32 s5;
	_ =	sdelay $0x1  }
0xa1: {  	s23 =	simm.s32 $0x1B8B  }
0xa2: {  	_ =	swait.ge [sflag:s23], $0x1  }
0xa3: {  	[sflag:s23] =	ssyncset.done $0x0  }
0xa4: {  	[sflag:s23] =	ssyncadd.s32 $0xFFFFFFFF  }
0xa5: {  	s5 =	sld [smem:$0x0]  }
0xa6: {  	s6 =	sand.u32 $0xFFFFFFFE, s1  }
0xa7: {  	p0 =	sne.s32 s1, s6  }
0xa8: {  	s6 =	sshll.u32 @p0 s6, $0xE  }
0xa9: {  	s6 =	sadd.s32 @p0 $0x11B8D, s6;
	s7 =	sshll.u32 @p0 s5, $0x11  }
0xaa: {  	s6 =	sor.u32 @p0 s7, s6  }
0xab: {  	[sflag:s6] =	ssyncadd.remote.s32 @p0 $0x1;
	_ =	sdelay $0x1  }
0xac: {  	s6 =	simm.s32 @p0 $0x1B8D  }
0xad: {  	_ =	swait.eq @p0 [sflag:s6], $0x1  }
0xae: {  	[sflag:s6] =	ssyncadd.s32 @p0 $0xFFFFFFFF  }
0xaf: {  	s7 =	sshll.u32 @!p0 s1, $0xE  }
0xb0: {  	s7 =	sor.u32 @!p0 $0x4000, s7;
	s6 =	simm.s32 @!p0 $0x1B8D  }
0xb1: {  	s5 =	sshll.u32 @!p0 s5, $0x11;
	s7 =	sadd.s32 @!p0 $0x11B8D, s7;
	_ =	swait.eq @!p0 [sflag:s6], $0x1  }
0xb2: {  	s5 =	sor.u32 @!p0 s5, s7;
	[sflag:s6] =	ssyncadd.s32 @!p0 $0xFFFFFFFF  }
0xb3: {  	s25 =	simm.s32 $0x1B8E;
	s24 =	sld [smem:$0x3FFE];
	[sflag:s5] =	ssyncadd.remote.s32 @!p0 $0x1  }
0xb4: {  	s26 =	simm.s32 $execute0_lowered;
	[smem:$0x3FD2] =	sst s25  }
0xb5: {  	s6 =	sshll.u32 s26, $0x1;
	_ =	strace $0x80000049;
	[dreg:$0x1] =	wrdreg $0xFFFFFFFF  }
0xb6: {  	s28 =	simm.s32 $_size_execute0_lowered;
	s4 =	sadd.s32 s4, s6;
	[dreg:$0x0] =	wrdreg $0x0  }
0xb7: {  	s6 =	sshll.u32 s28, $0x1;
	[dreg:$0x2] =	wrdreg s4  }
0xb8: {  	[dreg:$0x3] =	wrdreg s6  }
0xb9: {  	[dreg:$0x4] =	wrdreg $0xC0  }
0xba: {  	_ =	task [dreg:s22], $0x5FFFF  }
0xbb: {  	[dreg:$0x1] =	wrdreg $0xFFFFFFFF  }
0xbc: {  	[dreg:$0x0] =	wrdreg $0x60  }
0xbd: {  	[dreg:$0x2] =	wrdreg s18  }
0xbe: {  	[dreg:$0x3] =	wrdreg s24  }
0xbf: {  	[dreg:$0x4] =	wrdreg $0xA  }
0xc0: {  	_ =	task.clear_ibuf [dreg:s22], $0x5FFFF;
	_ =	strace $0x90000049  }
0xc1: {  	s29 =	simm.s32 $0xA;
	_ =	strace $0x8000004B  }
0xc2: {  	_ =	swait.ge [sflag:s29], $0x1  }
0xc3: {  	[sflag:s29] =	ssyncadd.s32 $0xFFFFFFFF  }
0xc4: {  	_ =	strace $0x9000004B  }
0xc5: {  	_ =	sfence  }
0xc6: {  	s30 =	sld [smem:$0x0];
	_ =	sdelay $0x2  }
0xc7: {  	s31 =	sshll.u32 s1, $0xD;
	s1 =	sshrl.u32 s1, $0x2  }
0xc8: {  	s4 =	sand.u32 $0x4000, s31;
	s1 =	sadd.s32 s1, s30  }
0xc9: {  	s0 =	sor.u32 s4, s0;
	s1 =	sshll.u32 s1, $0x11  }
0xca: {  	s0 =	sor.u32 s1, s0  }
0xcb: {  	s0 =	sadd.s32 $0x8F2B, s0  }
0xcc: {  	[sflag:s0] =	ssyncadd.remote.s32 $0x1  }
0xcd: {  	_ =	sfence.sel $0xFFFF  }
0xce: {  	[dreg:$0x0] =	wrdreg $0xFFFFFFFF;
	(pc) =	sbr.abs _section_cstart, $3  }
0xcf: {  	[dreg:$0x1] =	wrdreg $0xFFFFFFFF  }
0xd0: {  	_ =	task.clear_ibuf [dreg:s22], $0x2FFFF;
	_ =	strace $0x9FFFFFFF  }
0xd1: {  	(tm) =	ssettm $0x7FFFFFFF  }
tec
execute0_lowered:
.L_overlay_start_1:
0x0: {  	(tag) =	ssettag $0x1  }
0x1: {  	s0 =	srdreg.scid;
	s2 =	rddreg [dreg:$0x0]  }
0x2: {  	s5 =	stileid.u32;
	s4 =	rddreg [dreg:$0x1];
	s3 =	simm.s32 $0x0  }
0x3: {  	s22 =	simm.s32 $0x3;
	s28 =	simm.s32 $0x8400;
	s29 =	simm.s32 $0x8C00  }
0x4: {  	s30 =	simm.s32 $0x1;
	s31 =	simm.s32 $0x2;
	s0 =	sand.u32 $0x1, s0  }
0x5: {  	s1 =	sshll.u32 s5, $0x1;
	[smem:$0x7FF] =	sst s3;
	s5 =	smul.u32 $0x50000, s5  }
0x6: {  	s8 =	sadd.s32 $0x400, s2;
	s9 =	sadd.s32 $0x500, s2;
	s10 =	sadd.s32 $0x600, s2  }
0x7: {  	s11 =	sadd.s32 $0x700, s2;
	s12 =	sadd.s32 $0x800, s2;
	s13 =	sadd.s32 $0x900, s2  }
0x8: {  	s14 =	sadd.s32 $0xA00, s2;
	s15 =	sadd.s32 $0xB00, s2;
	s16 =	sadd.s32 $0xC00, s2  }
0x9: {  	s1 =	sor.u32 s0, s1;
	s6 =	ssub.s32 $0x2, s0;
	s0 =	smul.u32 $0x28000, s0  }
0xa: {  	s17 =	sadd.s32 $0xD00, s2;
	s18 =	sadd.s32 $0xE00, s2;
	s1 =	smul.u32 $0x280, s1  }
.Ltmp0:
0xb: {  	s19 =	sadd.s32 $0xF00, s2;
	_ =	strace $0x8000004A;
	(pc) =	sbr.rel .LBB2_1-.Ltmp0, $4  }
0xc: {  	s7 =	sshrl.u32 s6, $0x1;
	s21 =	sadd.s32 s5, s4;
	s5 =	sadd.s32 $0x100, s2  }
0xd: {  	v0 =	vlaneseq.u32;
	s20 =	ssub.s32 s6, s7;
	s6 =	sadd.s32 $0x200, s2;
	s7 =	sadd.s32 $0x300, s2  }
0xe: {  	v1 =	vshrl.u32 v0, $0x3;
	s0 =	sadd.s32 s0, s21;
	s1 =	sadd.s32 s1, s4;
	s20 =	smax.u32 s20, $0x1  }
0xf: {  	vm0 =	vmmov $0xffff;
	v0 =	vand.u32 $0x7, v0;
	v1 =	vmul.u32 $0x8, v1;
	s24 =	sadd.s32 $0x306400, s0;
	s4 =	sadd.s32 $0x301400, s1;
	s1 =	simm.s32 $0x0  }
.LBB2_5:
0x10: {  	s1 =	sadd.s32 $0x1, s1  }
0x11: {  	p0 =	sne.s32 s1, s20  }
.Ltmp1:
0x12: {  	_ = 	snop;
	(pc) =	sbr.rel @!p0 .LBB2_6-.Ltmp1, $4  }
0x13: {  	_ = 	snop  }
0x14: {  	_ =	swait.ge [sflag:s31], $0x8000  }
0x15: {  	[sflag:s31] =	ssyncset.done $0x0  }
0x16: {  	[sflag:s31] =	ssyncadd.s32 $0xFFFF8000  }
.LBB2_1:
0x17: {  	[tilespmem:s3], [sflag:$0x3] =	stream.linear.gather [hbm4b:s4+s3], $0x1400, $0x38;
	[tilespmem:$0x11400] =	vst v63  }
0x18: {  	_ =	swait.ge [sflag:s22], $0x1400  }
0x19: {  	[sflag:s22] =	ssyncset.done $0x0  }
0x1a: {  	[sflag:s22] =	ssyncadd.s32 $0xFFFFEC00  }
0x1b: {  	v2 =	vld.msk [tilespmem:$0x0], $0xff;
	_ =	sdelay $0x4  }
0x1c: {  	v3 =	vshll.u32 v2, $0x5  }
0x1d: {  	v2 =	vand.u32 $0x7, v2;
	v3 =	vand.u32 $0xFFFFFF00, v3  }
0x1e: {  	v2 =	vor.u32 v2, v3  }
0x1f: {  	v2 =	vperm.xlane v2, v0;
	_ =	sdelay $0x1  }
0x20: {  	v2 =	vadd.s32 v1, v2;
	_ =	sdelay $0x3  }
0x21: {  	s0 =	simm.s32 $0x1400  }
0x22: {  	[tilespmem:s0], [sflag:$0x1] =	stream.indirect_vreg.gather [hbm4b:s2+s3], $0x80, v2, vm0, $0xb8;
	[tilespmem:$0x11400] =	vst v63  }
0x23: {  	s26 =	simm.s32 $0x1C00  }
0x24: {  	[tilespmem:s26], [sflag:$0x1] =	stream.indirect_vreg.gather [hbm4b:s5+s3], $0x80, v2, vm0, $0xb8;
	[tilespmem:$0x11400] =	vst v63  }
0x25: {  	s21 =	simm.s32 $0x2400  }
0x26: {  	[tilespmem:s21], [sflag:$0x1] =	stream.indirect_vreg.gather [hbm4b:s6+s3], $0x80, v2, vm0, $0xb8;
	[tilespmem:$0x11400] =	vst v63  }
0x27: {  	s23 =	simm.s32 $0x2C00  }
0x28: {  	[tilespmem:s23], [sflag:$0x1] =	stream.indirect_vreg.gather [hbm4b:s7+s3], $0x80, v2, vm0, $0xb8;
	[tilespmem:$0x11400] =	vst v63  }
0x29: {  	s25 =	simm.s32 $0x3400  }
0x2a: {  	[tilespmem:s25], [sflag:$0x1] =	stream.indirect_vreg.gather [hbm4b:s8+s3], $0x80, v2, vm0, $0xb8;
	[tilespmem:$0x11400] =	vst v63  }
0x2b: {  	s26 =	simm.s32 $0x3C00  }
0x2c: {  	[tilespmem:s26], [sflag:$0x1] =	stream.indirect_vreg.gather [hbm4b:s9+s3], $0x80, v2, vm0, $0xb8;
	[tilespmem:$0x11400] =	vst v63  }
0x2d: {  	s21 =	simm.s32 $0x4400  }
0x2e: {  	[tilespmem:s21], [sflag:$0x1] =	stream.indirect_vreg.gather [hbm4b:s10+s3], $0x80, v2, vm0, $0xb8;
	[tilespmem:$0x11400] =	vst v63  }
0x2f: {  	s23 =	simm.s32 $0x4C00  }
0x30: {  	[tilespmem:s23], [sflag:$0x1] =	stream.indirect_vreg.gather [hbm4b:s11+s3], $0x80, v2, vm0, $0xb8;
	[tilespmem:$0x11400] =	vst v63  }
0x31: {  	s25 =	simm.s32 $0x5400  }
0x32: {  	[tilespmem:s25], [sflag:$0x1] =	stream.indirect_vreg.gather [hbm4b:s12+s3], $0x80, v2, vm0, $0xb8;
	[tilespmem:$0x11400] =	vst v63  }
0x33: {  	s26 =	simm.s32 $0x5C00  }
0x34: {  	[tilespmem:s26], [sflag:$0x1] =	stream.indirect_vreg.gather [hbm4b:s13+s3], $0x80, v2, vm0, $0xb8;
	[tilespmem:$0x11400] =	vst v63  }
0x35: {  	s21 =	simm.s32 $0x6400  }
0x36: {  	[tilespmem:s21], [sflag:$0x1] =	stream.indirect_vreg.gather [hbm4b:s14+s3], $0x80, v2, vm0, $0xb8;
	[tilespmem:$0x11400] =	vst v63  }
0x37: {  	s23 =	simm.s32 $0x6C00  }
0x38: {  	[tilespmem:s23], [sflag:$0x1] =	stream.indirect_vreg.gather [hbm4b:s15+s3], $0x80, v2, vm0, $0xb8;
	[tilespmem:$0x11400] =	vst v63  }
0x39: {  	s25 =	simm.s32 $0x7400  }
0x3a: {  	[tilespmem:s25], [sflag:$0x1] =	stream.indirect_vreg.gather [hbm4b:s16+s3], $0x80, v2, vm0, $0xb8;
	[tilespmem:$0x11400] =	vst v63  }
0x3b: {  	s26 =	simm.s32 $0x7C00  }
0x3c: {  	[tilespmem:s26], [sflag:$0x1] =	stream.indirect_vreg.gather [hbm4b:s17+s3], $0x80, v2, vm0, $0xb8;
	[tilespmem:$0x11400] =	vst v63  }
.Ltmp2:
0x3d: {  	_ = 	snop;
	(pc) =	sbr.rel .LBB2_2-.Ltmp2, $4  }
0x3e: {  	_ = 	snop  }
0x3f: {  	[tilespmem:s28], [sflag:$0x1] =	stream.indirect_vreg.gather [hbm4b:s18+s3], $0x80, v2, vm0, $0xb8;
	[tilespmem:$0x11400] =	vst v63  }
0x40: {  	s0 =	simm.s32 $0x20000;
	s21 =	smov.u32 s24;
	s23 =	simm.s32 $0x80  }
0x41: {  	[tilespmem:s29], [sflag:$0x1] =	stream.indirect_vreg.gather [hbm4b:s19+s3], $0x80, v2, vm0, $0xb8;
	[tilespmem:$0x11400] =	vst v63  }
.LBB2_4:
0x42: {  	s25 =	sadd.s32 $0xFFFE0000, s0;
	s0 =	sadd.s32 $0x20000, s0  }
0x43: {  	p0 =	sne.s32 s0, $0x520000  }
.Ltmp3:
0x44: {  	s25 =	sand.u32 $0x20000, s25;
	(pc) =	sbr.rel @!p0 .LBB2_5-.Ltmp3, $4  }
0x45: {  	s25 =	sshrl.u32 s25, $0x2  }
0x46: {  	s25 =	sor.u32 $0x1400, s25  }
0x47: {  	[hbm4b:s21+s3] =	stream.linear.scatter [tilespmem:s25], [sflag:$0x2], $0x8000, $0x38;
	[tilespmem:$0x11400] =	vst v63  }
0x48: {  	s23 =	sadd.s32 $0x80, s23;
	s21 =	sadd.s32 $0x1000, s21  }
.LBB2_2:
0x49: {  	p0 =	seq.s32 s0, $0x20000  }
0x4a: {  	p1 =	seq.s32 @!p0 s0, $0x500000  }
0x4b: {  	_ =	swait.ge [sflag:s30], $0x8000;
	p1 =	por p0, !p1  }
.Ltmp4:
0x4c: {  	[sflag:s30] =	ssyncset.done $0x0;
	(pc) =	sbr.rel @!p1 .LBB2_4-.Ltmp4, $4  }
0x4d: {  	s25 =	simm.s32 @!p0 $0x2;
	[sflag:s30] =	ssyncadd.s32 $0xFFFF8000  }
0x4e: {  	_ =	swait.ge @!p0 [sflag:s25], $0x8000  }
0x4f: {  	[sflag:s25] =	ssyncset.done @!p0 $0x0  }
0x50: {  	[sflag:s25] =	ssyncadd.s32 @!p0 $0xFFFF8000  }
0x51: {  	v2 =	vld.msk [tilespmem:s23+$0x0], $0xff;
	_ =	sdelay $0x4  }
0x52: {  	v3 =	vshll.u32 v2, $0x5  }
0x53: {  	v2 =	vand.u32 $0x7, v2;
	v3 =	vand.u32 $0xFFFFFF00, v3  }
0x54: {  	v2 =	vor.u32 v2, v3  }
0x55: {  	v2 =	vperm.xlane v2, v0;
	_ =	sdelay $0x1  }
0x56: {  	v2 =	vadd.s32 v1, v2;
	_ =	sdelay $0x1  }
0x57: {  	s25 =	sshrl.u32 s0, $0x2  }
0x58: {  	s25 =	sand.u32 $0x8000, s25  }
0x59: {  	s26 =	sor.u32 $0x1400, s25  }
0x5a: {  	[tilespmem:s26], [sflag:$0x1] =	stream.indirect_vreg.gather [hbm4b:s2+s3], $0x80, v2, vm0, $0xb8;
	[tilespmem:$0x11400] =	vst v63  }
0x5b: {  	s26 =	sor.u32 $0x1C00, s25  }
0x5c: {  	[tilespmem:s26], [sflag:$0x1] =	stream.indirect_vreg.gather [hbm4b:s5+s3], $0x80, v2, vm0, $0xb8;
	[tilespmem:$0x11400] =	vst v63  }
0x5d: {  	s26 =	sor.u32 $0x2400, s25  }
0x5e: {  	[tilespmem:s26], [sflag:$0x1] =	stream.indirect_vreg.gather [hbm4b:s6+s3], $0x80, v2, vm0, $0xb8;
	[tilespmem:$0x11400] =	vst v63  }
0x5f: {  	s26 =	sor.u32 $0x2C00, s25  }
0x60: {  	[tilespmem:s26], [sflag:$0x1] =	stream.indirect_vreg.gather [hbm4b:s7+s3], $0x80, v2, vm0, $0xb8;
	[tilespmem:$0x11400] =	vst v63  }
0x61: {  	s26 =	sor.u32 $0x3400, s25  }
0x62: {  	[tilespmem:s26], [sflag:$0x1] =	stream.indirect_vreg.gather [hbm4b:s8+s3], $0x80, v2, vm0, $0xb8;
	[tilespmem:$0x11400] =	vst v63  }
0x63: {  	s26 =	sor.u32 $0x3C00, s25  }
0x64: {  	[tilespmem:s26], [sflag:$0x1] =	stream.indirect_vreg.gather [hbm4b:s9+s3], $0x80, v2, vm0, $0xb8;
	[tilespmem:$0x11400] =	vst v63  }
0x65: {  	s26 =	sor.u32 $0x4400, s25  }
0x66: {  	[tilespmem:s26], [sflag:$0x1] =	stream.indirect_vreg.gather [hbm4b:s10+s3], $0x80, v2, vm0, $0xb8;
	[tilespmem:$0x11400] =	vst v63  }
0x67: {  	s26 =	sor.u32 $0x4C00, s25  }
0x68: {  	[tilespmem:s26], [sflag:$0x1] =	stream.indirect_vreg.gather [hbm4b:s11+s3], $0x80, v2, vm0, $0xb8;
	[tilespmem:$0x11400] =	vst v63  }
0x69: {  	s26 =	sor.u32 $0x5400, s25  }
0x6a: {  	[tilespmem:s26], [sflag:$0x1] =	stream.indirect_vreg.gather [hbm4b:s12+s3], $0x80, v2, vm0, $0xb8;
	[tilespmem:$0x11400] =	vst v63  }
0x6b: {  	s26 =	sor.u32 $0x5C00, s25  }
0x6c: {  	[tilespmem:s26], [sflag:$0x1] =	stream.indirect_vreg.gather [hbm4b:s13+s3], $0x80, v2, vm0, $0xb8;
	[tilespmem:$0x11400] =	vst v63  }
0x6d: {  	s26 =	sor.u32 $0x6400, s25  }
0x6e: {  	[tilespmem:s26], [sflag:$0x1] =	stream.indirect_vreg.gather [hbm4b:s14+s3], $0x80, v2, vm0, $0xb8;
	[tilespmem:$0x11400] =	vst v63  }
0x6f: {  	s26 =	sor.u32 $0x6C00, s25  }
0x70: {  	[tilespmem:s26], [sflag:$0x1] =	stream.indirect_vreg.gather [hbm4b:s15+s3], $0x80, v2, vm0, $0xb8;
	[tilespmem:$0x11400] =	vst v63  }
0x71: {  	s26 =	sor.u32 $0x7400, s25  }
0x72: {  	[tilespmem:s26], [sflag:$0x1] =	stream.indirect_vreg.gather [hbm4b:s16+s3], $0x80, v2, vm0, $0xb8;
	[tilespmem:$0x11400] =	vst v63  }
0x73: {  	s26 =	sor.u32 $0x7C00, s25  }
0x74: {  	[tilespmem:s26], [sflag:$0x1] =	stream.indirect_vreg.gather [hbm4b:s17+s3], $0x80, v2, vm0, $0xb8;
	[tilespmem:$0x11400] =	vst v63  }
.Ltmp5:
0x75: {  	_ = 	snop;
	(pc) =	sbr.rel .LBB2_4-.Ltmp5, $4  }
0x76: {  	s26 =	sadd.s32 $0x8400, s25  }
0x77: {  	[tilespmem:s26], [sflag:$0x1] =	stream.indirect_vreg.gather [hbm4b:s18+s3], $0x80, v2, vm0, $0xb8;
	[tilespmem:$0x11400] =	vst v63  }
0x78: {  	s25 =	sadd.s32 $0x8C00, s25  }
0x79: {  	[tilespmem:s25], [sflag:$0x1] =	stream.indirect_vreg.gather [hbm4b:s19+s3], $0x80, v2, vm0, $0xb8;
	[tilespmem:$0x11400] =	vst v63  }
.LBB2_6:
0x7a: {  	_ =	sfence.sel $0x180000  }
0x7b: {  	[bflag:$0x0] =	sbarrier.arrive $0xFFFF  }
0x7c: {  	_ =	strace $0x9000004A  }
0x7d: {  	s0 =	stileid.u32;
	[bflag:$0x2] =	sbarrier.arrive $0xFFFF  }
0x7e: {  	p0 =	sne.s32 s0, $0x0;
	s0 =	rddreg [dreg:$0x2]  }
0x7f: {  	s0 =	sadd.s32 @!p0 $0x100000, s0  }
0x80: {  	[sflag:s0] =	ssyncadd.tile.s32 @!p0 $0x1;
	_ =	shalt  }
.Lfunc_end2:
_tile_overlayer_lowered:
.L_overlay_start_2:
0x81: {  	(tag) =	ssettag $0x2  }
0x82: {  	s0 =	rddreg [dreg:$0x0];
	s2 =	stileid.u32  }
0x83: {  	s1 =	rddreg [dreg:$0x1];
	p0 =	sne.s32 s2, $0x0  }
0x84: {  	s3 =	rddreg [dreg:$0x2];
	[bflag:$0x3] =	sbarrier.arrive $0xFFFF;
	s2 =	simm.s32 @!p0 $0x1C03  }
0x85: {  	[timem:s3], [sflag:s2] =	dma.local @!p0 [hbm:s0], s1  }
0x86: {  	s0 =	simm.s32 @!p0 $0x3  }
0x87: {  	_ =	swait.ge @!p0 [sflag:s0], s1  }
0x88: {  	s1 =	ssub.s32 @!p0 $0x0, s1;
	[sflag:s0] =	ssyncset.done @!p0 $0x0  }
0x89: {  	[sflag:s0] =	ssyncadd.s32 @!p0 s1  }
0x8a: {  	[bflag:$0x3] =	sbarrier.arrive $0xFFFF  }
0x8b: {  	_ =	shalt  }

// kernel: kernel.7.cloned.1.call-start
scs
__scs_entry_jumppad:
0x0: {  	(pc) =	sbr.rel $0x88, $3  }
0x1: {  	(tag) =	ssettag $0x0;
	lr =	simm.s32 $0x1  }
0x2: {  	[smem:$0x3F9D] =	sst lr;
	_ =	strace $0xD0000000  }
0x3: {  	_ = 	snop  }
0x4: {  	_ = 	snop  }
0x5: {  	_ = 	snop  }
0x6: {  	_ = 	snop  }
0x7: {  	_ = 	snop  }
__scs_overlays_trampoline_lowered:
0x8: {  	[smem:$0x3FAC] =	sst s0  }
0x9: {  	[smem:$0x3FAD] =	sst s1  }
0xa: {  	[smem:$0x3FAE] =	sst s2  }
0xb: {  	[smem:$0x3FAF] =	sst s3  }
0xc: {  	[smem:$0x3FB0] =	sst s4  }
0xd: {  	[smem:$0x3FB1] =	sst s5  }
0xe: {  	[smem:$0x3FB2] =	sst s6  }
0xf: {  	[smem:$0x3FB3] =	sst s7  }
0x10: {  	[smem:$0x3FB4] =	sst s8  }
0x11: {  	[smem:$0x3FB5] =	sst s9;
	s0 =	simm.s32 @!p0 $0x0  }
0x12: {  	s1 =	sld [smem:$0x3F9B];
	s0 =	simm.s32 @p0 $0x1  }
0x13: {  	[smem:$0x3FB6] =	sst s0;
	s0 =	simm.s32 @!p1 $0x0  }
0x14: {  	s2 =	sld [smem:$0x3F9A];
	s0 =	simm.s32 @p1 $0x1  }
0x15: {  	[smem:$0x3FB7] =	sst s0;
	s0 =	simm.s32 @!p2 $0x0  }
0x16: {  	s3 =	sld [smem:$0x3FDB];
	s0 =	simm.s32 @p2 $0x1  }
0x17: {  	s4 =	simm.s32 $0x1BF5;
	[smem:$0x3FB9] =	sst s0  }
0x18: {  	s0 =	sld [smem:$0x3F9C];
	_ =	swait.ge [sflag:s4], $0x0  }
0x19: {  	s7 =	sld [smem:$0x3F9D]  }
0x1a: {  	s8 =	sadd.s32 $0xFFFFE003, lr  }
0x1b: {  	s9 =	sadd.s32 $0xFFFFFEF7, lr;
	s5 =	simm.s32 $0xFFFFFFFF;
	p2 =	slt.u32 s8, $0xFFFFF086  }
0x1c: {  	p1 =	slt.u32 s9, $0xF7A;
	s5 =	simm.s32 @!p2 $0x0  }
0x1d: {  	s5 =	simm.s32 @p1 $0x1;
	p0 =	seq.s32 s7, s2  }
0x1e: {  	s7 =	smul.u32 @!p0 $0xF7A, s2;
	p2 =	seq.s32 @!p0 s5, $0x0  }
0x1f: {  	s9 =	smul.u32 $0xF7A, s1;
	s8 =	simm.s32 @!p0 $0x1BF5;
	p2 =	por !p2, p0  }
0x20: {  	[sflag:s8] =	ssyncset.s32 @!p0 $0xFFFFF086;
	s6 =	sadd.s32 @!p0 s3, s7;
	s7 =	simm.s32 @!p0 $0x108  }
0x21: {  	s3 =	sadd.s32 s3, s9;
	s6 =	sadd.s32 @!p0 $0x88, s6;
	s7 =	simm.s32 @p2 $0x1082  }
0x22: {  	[simem:s7], [sflag:s8] =	dma.local @!p0 [hbm:s6], $0xF7A  }
0x23: {  	s9 =	sor.u32 $0xD0000000, s2;
	s6 =	simm.s32 $0x108;
	_ =	swait.ge @!p0 [sflag:s8], $0x0  }
0x24: {  	s3 =	sadd.s32 $0x88, s3;
	s6 =	simm.s32 @!p1 $0x1082;
	[sflag:s4] =	ssyncset.s32 $0xFFFFF086  }
0x25: {  	[simem:s6], [sflag:s4] =	dma.local [hbm:s3], $0xF7A  }
0x26: {  	[smem:$0x3F9D] =	sst s1;
	(tag) =	ssettag s2;
	_ =	strace s9  }
0x27: {  	s1 =	sld [smem:$0x3FAD]  }
0x28: {  	s2 =	sld [smem:$0x3FAE]  }
0x29: {  	s4 =	sld [smem:$0x3FB0]  }
0x2a: {  	p0 =	seq.s32 s5, $0x0;
	s5 =	sld [smem:$0x3FB1]  }
0x2b: {  	s6 =	sld [smem:$0x3FB2]  }
0x2c: {  	s7 =	sld [smem:$0x3FB3]  }
0x2d: {  	s3 =	simm.s32 $0x108;
	s8 =	sld [smem:$0x3FB4]  }
0x2e: {  	s3 =	simm.s32 @!p0 $0x1082;
	s9 =	sld [smem:$0x3FB5]  }
0x2f: {  	lr =	sadd.s32 s0, s3;
	s0 =	sld [smem:$0x3FAC]  }
0x30: {  	s3 =	sld [smem:$0x3FAF]  }
0x31: {  	[smem:$0x3FB8] =	sst s10  }
0x32: {  	s10 =	sld [smem:$0x3FB6];
	_ =	sdelay $0x3  }
0x33: {  	p0 =	seq.s32 s10, $0x1;
	s10 =	sld [smem:$0x3FB8];
	_ =	sdelay $0x3  }
0x34: {  	[smem:$0x3FB8] =	sst s10  }
0x35: {  	s10 =	sld [smem:$0x3FB7];
	_ =	sdelay $0x3  }
0x36: {  	p1 =	seq.s32 s10, $0x1;
	s10 =	sld [smem:$0x3FB8];
	_ =	sdelay $0x3  }
0x37: {  	[smem:$0x3FB8] =	sst s10  }
0x38: {  	s10 =	sld [smem:$0x3FB9]  }
0x39: {  	_ = 	snop;
	(pc) =	sbr.ind lr, $3  }
0x3a: {  	_ = 	snop  }
0x3b: {  	_ = 	snop  }
0x3c: {  	p2 =	seq.s32 s10, $0x1;
	s10 =	sld [smem:$0x3FB8]  }
0x3d: {  	_ =	shalt  }
0x3e: {  	_ =	shalt  }
0x3f: {  	_ =	shalt  }
0x40: {  	_ =	shalt  }
0x41: {  	_ =	shalt  }
0x42: {  	_ =	shalt  }
0x43: {  	_ =	shalt  }
0x44: {  	_ =	shalt  }
0x45: {  	_ =	shalt  }
0x46: {  	_ =	shalt  }
0x47: {  	_ =	shalt  }
0x48: {  	_ =	shalt  }
0x49: {  	_ =	shalt  }
0x4a: {  	_ =	shalt  }
0x4b: {  	_ =	shalt  }
0x4c: {  	_ =	shalt  }
0x4d: {  	_ =	shalt  }
0x4e: {  	_ =	shalt  }
0x4f: {  	_ =	shalt  }
0x50: {  	_ =	shalt  }
0x51: {  	_ =	shalt  }
0x52: {  	_ =	shalt  }
0x53: {  	_ =	shalt  }
0x54: {  	_ =	shalt  }
0x55: {  	_ =	shalt  }
0x56: {  	_ =	shalt  }
0x57: {  	_ =	shalt  }
0x58: {  	_ =	shalt  }
0x59: {  	_ =	shalt  }
0x5a: {  	_ =	shalt  }
0x5b: {  	_ =	shalt  }
0x5c: {  	_ =	shalt  }
0x5d: {  	_ =	shalt  }
0x5e: {  	_ =	shalt  }
0x5f: {  	_ =	shalt  }
0x60: {  	_ =	shalt  }
0x61: {  	_ =	shalt  }
0x62: {  	_ =	shalt  }
0x63: {  	_ =	shalt  }
0x64: {  	_ =	shalt  }
0x65: {  	_ =	shalt  }
0x66: {  	_ =	shalt  }
0x67: {  	_ =	shalt  }
0x68: {  	_ =	shalt  }
0x69: {  	_ =	shalt  }
0x6a: {  	_ =	shalt  }
0x6b: {  	_ =	shalt  }
0x6c: {  	_ =	shalt  }
0x6d: {  	_ =	shalt  }
0x6e: {  	_ =	shalt  }
0x6f: {  	_ =	shalt  }
0x70: {  	_ =	shalt  }
0x71: {  	_ =	shalt  }
0x72: {  	_ =	shalt  }
0x73: {  	_ =	shalt  }
0x74: {  	_ =	shalt  }
0x75: {  	_ =	shalt  }
0x76: {  	_ =	shalt  }
0x77: {  	_ =	shalt  }
0x78: {  	_ =	shalt  }
0x79: {  	_ =	shalt  }
0x7a: {  	_ =	shalt  }
0x7b: {  	_ =	shalt  }
0x7c: {  	_ =	shalt  }
0x7d: {  	_ =	shalt  }
0x7e: {  	_ =	shalt  }
0x7f: {  	_ =	shalt  }
0x80: {  	_ =	shalt  }
0x81: {  	_ =	shalt  }
0x82: {  	_ =	shalt  }
0x83: {  	_ =	shalt  }
0x84: {  	_ =	shalt  }
0x85: {  	_ =	shalt  }
0x86: {  	_ =	shalt  }
0x87: {  	_ =	shalt  }
.Lfunc_end0:
.L_simem_size_0:
called_computation_lowered:
.L_overlay_start_0:
0x88: {  	s2 =	sld [smem:$0x3FD9]  }
0x89: {  	s3 =	sld [smem:$0x3FFE];
	_ =	sdelay $0x1  }
0x8a: {  	s1 =	srdreg.scid  }
0x8b: {  	s0 =	sand.u32 $0x1, s1  }
0x8c: {  	s17 =	sshll.u32 s0, $0xA;
	s2 =	sadd.s32 s3, s2  }
0x8d: {  	s2 =	sadd.s32 s2, s17  }
0x8e: {  	[smem:$0x3FC4] =	sst s2  }
0x8f: {  	_ = 	snop  }
0x90: {  	s2 =	sld [smem:$0x3FC8]  }
0x91: {  	s18 =	sld [smem:$0x3FD0];
	(tm) =	ssettm $0x1  }
0x92: {  	s4 =	sld [smem:$0x3FFB];
	_ =	sdelay $0x3  }
0x93: {  	_ =	strace s4  }
0x94: {  	s4 =	sld [smem:$0x3FFC];
	_ =	sdelay $0x3  }
0x95: {  	_ =	strace s4  }
0x96: {  	s4 =	sld [smem:$0x3FFD];
	_ =	sdelay $0x3  }
0x97: {  	_ =	strace s4  }
0x98: {  	_ =	strace $0x8FFFFFFF  }
0x99: {  	s19 =	sld [smem:$0x3FDB];
	_ =	sdelay $0x1  }
0x9a: {  	s5 =	simm.s32 $_scs_section_size  }
0x9b: {  	s6 =	simm.s32 $_size__tile_overlayer_lowered;
	s7 =	simm.s32 $_tile_overlayer_lowered  }
0x9c: {  	s22 =	simm.s32 $0x1BFF;
	s21 =	sshll.u32 s7, $0x1;
	s4 =	sadd.s32 s5, s19  }
0x9d: {  	s8 =	simm.s32 $0x0;
	s20 =	sshll.u32 s6, $0x1;
	s6 =	sadd.s32 s21, s4  }
0x9e: {  	[timem:s8], [sflag:s22] =	dma.local [hbm:s6], s20  }
0x9f: {  	_ =	swait.ge [sflag:s22], s20  }
0xa0: {  	s5 =	ssub.s32 $0x0, s20;
	[sflag:s22] =	ssyncset.done $0x0  }
0xa1: {  	[sflag:s22] =	ssyncadd.s32 s5;
	_ =	sdelay $0x1  }
0xa2: {  	s23 =	simm.s32 $0x1B8B  }
0xa3: {  	_ =	swait.ge [sflag:s23], $0x1  }
0xa4: {  	[sflag:s23] =	ssyncset.done $0x0  }
0xa5: {  	s25 =	simm.s32 $0x1B8E;
	s24 =	sld [smem:$0x3FFE];
	[sflag:s23] =	ssyncadd.s32 $0xFFFFFFFF  }
0xa6: {  	s26 =	simm.s32 $execute0_lowered;
	[smem:$0x3FD2] =	sst s25  }
0xa7: {  	s6 =	sshll.u32 s26, $0x1;
	_ =	strace $0x80000046;
	[dreg:$0x1] =	wrdreg $0xFFFFFFFF  }
0xa8: {  	s28 =	simm.s32 $_size_execute0_lowered;
	s4 =	sadd.s32 s4, s6;
	[dreg:$0x0] =	wrdreg $0x0  }
0xa9: {  	s6 =	sshll.u32 s28, $0x1;
	[dreg:$0x2] =	wrdreg s4  }
0xaa: {  	[dreg:$0x3] =	wrdreg s6  }
0xab: {  	[dreg:$0x4] =	wrdreg $0xC0  }
0xac: {  	_ =	task [dreg:s8], $0x5FFFF  }
0xad: {  	[dreg:$0x1] =	wrdreg $0xFFFFFFFF  }
0xae: {  	[dreg:$0x0] =	wrdreg $0x60  }
0xaf: {  	[dreg:$0x2] =	wrdreg s2  }
0xb0: {  	[dreg:$0x3] =	wrdreg s18  }
0xb1: {  	[dreg:$0x4] =	wrdreg s24  }
0xb2: {  	[dreg:$0x5] =	wrdreg $0x9  }
0xb3: {  	_ =	task.clear_ibuf [dreg:s8], $0x6FFFF;
	_ =	strace $0x90000046  }
0xb4: {  	s29 =	simm.s32 $0x9;
	_ =	strace $0x80000048  }
0xb5: {  	_ =	swait.ge [sflag:s29], $0x1  }
0xb6: {  	[sflag:s29] =	ssyncadd.s32 $0xFFFFFFFF  }
0xb7: {  	_ =	strace $0x90000048  }
0xb8: {  	_ =	sfence  }
0xb9: {  	s30 =	sld [smem:$0x0];
	_ =	sdelay $0x2  }
0xba: {  	s31 =	sshll.u32 s1, $0xD;
	s1 =	sshrl.u32 s1, $0x2  }
0xbb: {  	s3 =	sand.u32 $0x4000, s31;
	s1 =	sadd.s32 s1, s30  }
0xbc: {  	s0 =	sor.u32 s3, s0;
	s1 =	sshll.u32 s1, $0x11  }
0xbd: {  	s0 =	sor.u32 s1, s0  }
0xbe: {  	s0 =	sadd.s32 $0x8F2B, s0  }
0xbf: {  	[sflag:s0] =	ssyncadd.remote.s32 $0x1  }
0xc0: {  	_ =	sfence.sel $0xFFFF  }
0xc1: {  	[dreg:$0x0] =	wrdreg $0xFFFFFFFF;
	(pc) =	sbr.abs _section_cstart, $3  }
0xc2: {  	[dreg:$0x1] =	wrdreg $0xFFFFFFFF  }
0xc3: {  	_ =	task.clear_ibuf [dreg:s8], $0x2FFFF;
	_ =	strace $0x9FFFFFFF  }
0xc4: {  	(tm) =	ssettm $0x7FFFFFFF  }
0xc5: {  	_ =	shalt  }
tec
execute0_lowered:
.L_overlay_start_1:
0x0: {  	(tag) =	ssettag $0x1  }
0x1: {  	s2 =	rddreg [dreg:$0x0]  }
0x2: {  	s0 =	rddreg [dreg:$0x1]  }
0x3: {  	s1 =	rddreg [dreg:$0x2]  }
0x4: {  	s5 =	stileid.u32;
	s3 =	srdreg.scid  }
0x5: {  	s22 =	simm.s32 $0x3;
	s28 =	simm.s32 $0x7C00;
	s29 =	simm.s32 $0x8400  }
0x6: {  	s30 =	simm.s32 $0x1;
	s31 =	simm.s32 $0x2;
	s16 =	sand.u32 $0x1, s3  }
0x7: {  	s4 =	sshll.u32 s5, $0x1;
	s3 =	simm.s32 $0x0;
	s5 =	smul.u32 $0x30000, s5  }
0x8: {  	s8 =	sadd.s32 $0x400, s2;
	s9 =	sadd.s32 $0x500, s2;
	s10 =	sadd.s32 $0x600, s2  }
0x9: {  	s11 =	sadd.s32 $0x700, s2;
	s12 =	sadd.s32 $0x800, s2;
	s13 =	sadd.s32 $0x900, s2  }
0xa: {  	s14 =	sadd.s32 $0xA00, s2;
	s15 =	sadd.s32 $0xB00, s2;
	s17 =	sadd.s32 $0xD00, s2  }
0xb: {  	s18 =	sadd.s32 $0xE00, s2;
	s4 =	sor.u32 s16, s4;
	s26 =	smul.u32 $0x18000, s16  }
0xc: {  	s19 =	sadd.s32 $0xF00, s2;
	[smem:$0x7FF] =	sst s3;
	s4 =	smul.u32 $0x180, s4  }
.Ltmp0:
0xd: {  	s6 =	ssub.s32 $0x2, s16;
	s16 =	sadd.s32 $0xC00, s2;
	(pc) =	sbr.rel .LBB2_1-.Ltmp0, $4  }
0xe: {  	_ =	strace $0x80000047;
	s7 =	sshrl.u32 s6, $0x1;
	s1 =	sadd.s32 s5, s1  }
0xf: {  	v0 =	vlaneseq.u32;
	s5 =	sadd.s32 $0x100, s2;
	s20 =	ssub.s32 s6, s7;
	s6 =	sadd.s32 $0x200, s2  }
0x10: {  	v1 =	vshrl.u32 v0, $0x3;
	s7 =	sadd.s32 $0x300, s2;
	s4 =	sadd.s32 s0, s4;
	s0 =	sadd.s32 s26, s1  }
0x11: {  	vm0 =	vmmov $0xffff;
	v0 =	vand.u32 $0x7, v0;
	v1 =	vmul.u32 $0x8, v1;
	s20 =	smax.u32 s20, $0x1;
	s24 =	sadd.s32 $0x1400, s0;
	s0 =	simm.s32 $0x0  }
.LBB2_5:
0x12: {  	s0 =	sadd.s32 $0x1, s0  }
0x13: {  	p0 =	sne.s32 s0, s20  }
.Ltmp1:
0x14: {  	_ = 	snop;
	(pc) =	sbr.rel @!p0 .LBB2_6-.Ltmp1, $4  }
0x15: {  	_ = 	snop  }
0x16: {  	_ =	swait.ge [sflag:s31], $0x8000  }
0x17: {  	[sflag:s31] =	ssyncset.done $0x0  }
0x18: {  	[sflag:s31] =	ssyncadd.s32 $0xFFFF8000  }
.LBB2_1:
0x19: {  	[tilespmem:s3], [sflag:$0x3] =	stream.linear.gather [hbm4b:s4+s3], $0xC00, $0x38;
	[tilespmem:$0x10C00] =	vst v63  }
0x1a: {  	_ =	swait.ge [sflag:s22], $0xC00  }
0x1b: {  	[sflag:s22] =	ssyncset.done $0x0  }
0x1c: {  	[sflag:s22] =	ssyncadd.s32 $0xFFFFF400  }
0x1d: {  	v2 =	vld.msk [tilespmem:$0x0], $0xff;
	_ =	sdelay $0x4  }
0x1e: {  	v3 =	vshll.u32 v2, $0x5  }
0x1f: {  	v2 =	vand.u32 $0x7, v2;
	v3 =	vand.u32 $0xFFFFFF00, v3  }
0x20: {  	v2 =	vor.u32 v2, v3  }
0x21: {  	v2 =	vperm.xlane v2, v0;
	_ =	sdelay $0x1  }
0x22: {  	v2 =	vadd.s32 v1, v2;
	_ =	sdelay $0x3  }
0x23: {  	s1 =	simm.s32 $0xC00  }
0x24: {  	[tilespmem:s1], [sflag:$0x1] =	stream.indirect_vreg.gather [hbm4b:s2+s3], $0x80, v2, vm0, $0xb8;
	[tilespmem:$0x10C00] =	vst v63  }
0x25: {  	s26 =	simm.s32 $0x1400  }
0x26: {  	[tilespmem:s26], [sflag:$0x1] =	stream.indirect_vreg.gather [hbm4b:s5+s3], $0x80, v2, vm0, $0xb8;
	[tilespmem:$0x10C00] =	vst v63  }
0x27: {  	s21 =	simm.s32 $0x1C00  }
0x28: {  	[tilespmem:s21], [sflag:$0x1] =	stream.indirect_vreg.gather [hbm4b:s6+s3], $0x80, v2, vm0, $0xb8;
	[tilespmem:$0x10C00] =	vst v63  }
0x29: {  	s23 =	simm.s32 $0x2400  }
0x2a: {  	[tilespmem:s23], [sflag:$0x1] =	stream.indirect_vreg.gather [hbm4b:s7+s3], $0x80, v2, vm0, $0xb8;
	[tilespmem:$0x10C00] =	vst v63  }
0x2b: {  	s25 =	simm.s32 $0x2C00  }
0x2c: {  	[tilespmem:s25], [sflag:$0x1] =	stream.indirect_vreg.gather [hbm4b:s8+s3], $0x80, v2, vm0, $0xb8;
	[tilespmem:$0x10C00] =	vst v63  }
0x2d: {  	s26 =	simm.s32 $0x3400  }
0x2e: {  	[tilespmem:s26], [sflag:$0x1] =	stream.indirect_vreg.gather [hbm4b:s9+s3], $0x80, v2, vm0, $0xb8;
	[tilespmem:$0x10C00] =	vst v63  }
0x2f: {  	s21 =	simm.s32 $0x3C00  }
0x30: {  	[tilespmem:s21], [sflag:$0x1] =	stream.indirect_vreg.gather [hbm4b:s10+s3], $0x80, v2, vm0, $0xb8;
	[tilespmem:$0x10C00] =	vst v63  }
0x31: {  	s23 =	simm.s32 $0x4400  }
0x32: {  	[tilespmem:s23], [sflag:$0x1] =	stream.indirect_vreg.gather [hbm4b:s11+s3], $0x80, v2, vm0, $0xb8;
	[tilespmem:$0x10C00] =	vst v63  }
0x33: {  	s25 =	simm.s32 $0x4C00  }
0x34: {  	[tilespmem:s25], [sflag:$0x1] =	stream.indirect_vreg.gather [hbm4b:s12+s3], $0x80, v2, vm0, $0xb8;
	[tilespmem:$0x10C00] =	vst v63  }
0x35: {  	s26 =	simm.s32 $0x5400  }
0x36: {  	[tilespmem:s26], [sflag:$0x1] =	stream.indirect_vreg.gather [hbm4b:s13+s3], $0x80, v2, vm0, $0xb8;
	[tilespmem:$0x10C00] =	vst v63  }
0x37: {  	s21 =	simm.s32 $0x5C00  }
0x38: {  	[tilespmem:s21], [sflag:$0x1] =	stream.indirect_vreg.gather [hbm4b:s14+s3], $0x80, v2, vm0, $0xb8;
	[tilespmem:$0x10C00] =	vst v63  }
0x39: {  	s23 =	simm.s32 $0x6400  }
0x3a: {  	[tilespmem:s23], [sflag:$0x1] =	stream.indirect_vreg.gather [hbm4b:s15+s3], $0x80, v2, vm0, $0xb8;
	[tilespmem:$0x10C00] =	vst v63  }
0x3b: {  	s25 =	simm.s32 $0x6C00  }
0x3c: {  	[tilespmem:s25], [sflag:$0x1] =	stream.indirect_vreg.gather [hbm4b:s16+s3], $0x80, v2, vm0, $0xb8;
	[tilespmem:$0x10C00] =	vst v63  }
0x3d: {  	s26 =	simm.s32 $0x7400  }
0x3e: {  	[tilespmem:s26], [sflag:$0x1] =	stream.indirect_vreg.gather [hbm4b:s17+s3], $0x80, v2, vm0, $0xb8;
	[tilespmem:$0x10C00] =	vst v63  }
.Ltmp2:
0x3f: {  	_ = 	snop;
	(pc) =	sbr.rel .LBB2_2-.Ltmp2, $4  }
0x40: {  	_ = 	snop  }
0x41: {  	[tilespmem:s28], [sflag:$0x1] =	stream.indirect_vreg.gather [hbm4b:s18+s3], $0x80, v2, vm0, $0xb8;
	[tilespmem:$0x10C00] =	vst v63  }
0x42: {  	s1 =	simm.s32 $0x20000;
	s21 =	smov.u32 s24;
	s23 =	simm.s32 $0x80  }
0x43: {  	[tilespmem:s29], [sflag:$0x1] =	stream.indirect_vreg.gather [hbm4b:s19+s3], $0x80, v2, vm0, $0xb8;
	[tilespmem:$0x10C00] =	vst v63  }
.LBB2_4:
0x44: {  	s25 =	sadd.s32 $0xFFFE0000, s1;
	s1 =	sadd.s32 $0x20000, s1  }
0x45: {  	p0 =	sne.s32 s1, $0x320000  }
.Ltmp3:
0x46: {  	s25 =	sand.u32 $0x20000, s25;
	(pc) =	sbr.rel @!p0 .LBB2_5-.Ltmp3, $4  }
0x47: {  	s25 =	sshrl.u32 s25, $0x2  }
0x48: {  	s25 =	sor.u32 $0xC00, s25  }
0x49: {  	[hbm4b:s21+s3] =	stream.linear.scatter [tilespmem:s25], [sflag:$0x2], $0x8000, $0x38;
	[tilespmem:$0x10C00] =	vst v63  }
0x4a: {  	s23 =	sadd.s32 $0x80, s23;
	s21 =	sadd.s32 $0x1000, s21  }
.LBB2_2:
0x4b: {  	p0 =	seq.s32 s1, $0x20000  }
0x4c: {  	p1 =	seq.s32 @!p0 s1, $0x300000  }
0x4d: {  	_ =	swait.ge [sflag:s30], $0x8000;
	p1 =	por p0, !p1  }
.Ltmp4:
0x4e: {  	[sflag:s30] =	ssyncset.done $0x0;
	(pc) =	sbr.rel @!p1 .LBB2_4-.Ltmp4, $4  }
0x4f: {  	s25 =	simm.s32 @!p0 $0x2;
	[sflag:s30] =	ssyncadd.s32 $0xFFFF8000  }
0x50: {  	_ =	swait.ge @!p0 [sflag:s25], $0x8000  }
0x51: {  	[sflag:s25] =	ssyncset.done @!p0 $0x0  }
0x52: {  	[sflag:s25] =	ssyncadd.s32 @!p0 $0xFFFF8000  }
0x53: {  	v2 =	vld.msk [tilespmem:s23+$0x0], $0xff;
	_ =	sdelay $0x4  }
0x54: {  	v3 =	vshll.u32 v2, $0x5  }
0x55: {  	v2 =	vand.u32 $0x7, v2;
	v3 =	vand.u32 $0xFFFFFF00, v3  }
0x56: {  	v2 =	vor.u32 v2, v3  }
0x57: {  	v2 =	vperm.xlane v2, v0;
	_ =	sdelay $0x1  }
0x58: {  	v2 =	vadd.s32 v1, v2;
	_ =	sdelay $0x1  }
0x59: {  	s25 =	sshrl.u32 s1, $0x2  }
0x5a: {  	s25 =	sand.u32 $0x8000, s25  }
0x5b: {  	s26 =	sor.u32 $0xC00, s25  }
0x5c: {  	[tilespmem:s26], [sflag:$0x1] =	stream.indirect_vreg.gather [hbm4b:s2+s3], $0x80, v2, vm0, $0xb8;
	[tilespmem:$0x10C00] =	vst v63  }
0x5d: {  	s26 =	sor.u32 $0x1400, s25  }
0x5e: {  	[tilespmem:s26], [sflag:$0x1] =	stream.indirect_vreg.gather [hbm4b:s5+s3], $0x80, v2, vm0, $0xb8;
	[tilespmem:$0x10C00] =	vst v63  }
0x5f: {  	s26 =	sor.u32 $0x1C00, s25  }
0x60: {  	[tilespmem:s26], [sflag:$0x1] =	stream.indirect_vreg.gather [hbm4b:s6+s3], $0x80, v2, vm0, $0xb8;
	[tilespmem:$0x10C00] =	vst v63  }
0x61: {  	s26 =	sor.u32 $0x2400, s25  }
0x62: {  	[tilespmem:s26], [sflag:$0x1] =	stream.indirect_vreg.gather [hbm4b:s7+s3], $0x80, v2, vm0, $0xb8;
	[tilespmem:$0x10C00] =	vst v63  }
0x63: {  	s26 =	sor.u32 $0x2C00, s25  }
0x64: {  	[tilespmem:s26], [sflag:$0x1] =	stream.indirect_vreg.gather [hbm4b:s8+s3], $0x80, v2, vm0, $0xb8;
	[tilespmem:$0x10C00] =	vst v63  }
0x65: {  	s26 =	sor.u32 $0x3400, s25  }
0x66: {  	[tilespmem:s26], [sflag:$0x1] =	stream.indirect_vreg.gather [hbm4b:s9+s3], $0x80, v2, vm0, $0xb8;
	[tilespmem:$0x10C00] =	vst v63  }
0x67: {  	s26 =	sor.u32 $0x3C00, s25  }
0x68: {  	[tilespmem:s26], [sflag:$0x1] =	stream.indirect_vreg.gather [hbm4b:s10+s3], $0x80, v2, vm0, $0xb8;
	[tilespmem:$0x10C00] =	vst v63  }
0x69: {  	s26 =	sor.u32 $0x4400, s25  }
0x6a: {  	[tilespmem:s26], [sflag:$0x1] =	stream.indirect_vreg.gather [hbm4b:s11+s3], $0x80, v2, vm0, $0xb8;
	[tilespmem:$0x10C00] =	vst v63  }
0x6b: {  	s26 =	sor.u32 $0x4C00, s25  }
0x6c: {  	[tilespmem:s26], [sflag:$0x1] =	stream.indirect_vreg.gather [hbm4b:s12+s3], $0x80, v2, vm0, $0xb8;
	[tilespmem:$0x10C00] =	vst v63  }
0x6d: {  	s26 =	sor.u32 $0x5400, s25  }
0x6e: {  	[tilespmem:s26], [sflag:$0x1] =	stream.indirect_vreg.gather [hbm4b:s13+s3], $0x80, v2, vm0, $0xb8;
	[tilespmem:$0x10C00] =	vst v63  }
0x6f: {  	s26 =	sor.u32 $0x5C00, s25  }
0x70: {  	[tilespmem:s26], [sflag:$0x1] =	stream.indirect_vreg.gather [hbm4b:s14+s3], $0x80, v2, vm0, $0xb8;
	[tilespmem:$0x10C00] =	vst v63  }
0x71: {  	s26 =	sor.u32 $0x6400, s25  }
0x72: {  	[tilespmem:s26], [sflag:$0x1] =	stream.indirect_vreg.gather [hbm4b:s15+s3], $0x80, v2, vm0, $0xb8;
	[tilespmem:$0x10C00] =	vst v63  }
0x73: {  	s26 =	sor.u32 $0x6C00, s25  }
0x74: {  	[tilespmem:s26], [sflag:$0x1] =	stream.indirect_vreg.gather [hbm4b:s16+s3], $0x80, v2, vm0, $0xb8;
	[tilespmem:$0x10C00] =	vst v63  }
0x75: {  	s26 =	sor.u32 $0x7400, s25  }
0x76: {  	[tilespmem:s26], [sflag:$0x1] =	stream.indirect_vreg.gather [hbm4b:s17+s3], $0x80, v2, vm0, $0xb8;
	[tilespmem:$0x10C00] =	vst v63  }
.Ltmp5:
0x77: {  	_ = 	snop;
	(pc) =	sbr.rel .LBB2_4-.Ltmp5, $4  }
0x78: {  	s26 =	sor.u32 $0x7C00, s25  }
0x79: {  	[tilespmem:s26], [sflag:$0x1] =	stream.indirect_vreg.gather [hbm4b:s18+s3], $0x80, v2, vm0, $0xb8;
	[tilespmem:$0x10C00] =	vst v63  }
0x7a: {  	s25 =	sadd.s32 $0x8400, s25  }
0x7b: {  	[tilespmem:s25], [sflag:$0x1] =	stream.indirect_vreg.gather [hbm4b:s19+s3], $0x80, v2, vm0, $0xb8;
	[tilespmem:$0x10C00] =	vst v63  }
.LBB2_6:
0x7c: {  	_ =	sfence.sel $0x180000  }
0x7d: {  	[bflag:$0x0] =	sbarrier.arrive $0xFFFF  }
0x7e: {  	_ =	strace $0x90000047  }
0x7f: {  	s0 =	stileid.u32;
	[bflag:$0x2] =	sbarrier.arrive $0xFFFF  }
0x80: {  	p0 =	sne.s32 s0, $0x0;
	s0 =	rddreg [dreg:$0x3]  }
0x81: {  	s0 =	sadd.s32 @!p0 $0x100000, s0  }
0x82: {  	[sflag:s0] =	ssyncadd.tile.s32 @!p0 $0x1;
	_ =	shalt  }
.Lfunc_end2:
_tile_overlayer_lowered:
.L_overlay_start_2:
0x83: {  	(tag) =	ssettag $0x2  }
0x84: {  	s0 =	rddreg [dreg:$0x0];
	s2 =	stileid.u32  }
0x85: {  	s1 =	rddreg [dreg:$0x1];
	p0 =	sne.s32 s2, $0x0  }
0x86: {  	s3 =	rddreg [dreg:$0x2];
	[bflag:$0x3] =	sbarrier.arrive $0xFFFF;
	s2 =	simm.s32 @!p0 $0x1C03  }
0x87: {  	[timem:s3], [sflag:s2] =	dma.local @!p0 [hbm:s0], s1  }
0x88: {  	s0 =	simm.s32 @!p0 $0x3  }
0x89: {  	_ =	swait.ge @!p0 [sflag:s0], s1  }
0x8a: {  	s1 =	ssub.s32 @!p0 $0x0, s1;
	[sflag:s0] =	ssyncset.done @!p0 $0x0  }
0x8b: {  	[sflag:s0] =	ssyncadd.s32 @!p0 s1  }
0x8c: {  	[bflag:$0x3] =	sbarrier.arrive $0xFFFF  }
0x8d: {  	_ =	shalt  }

</sc_bundles>
